<compile_context>
chip_gen: v7x
topology: tpu7x:2x2x1
jax: 0.10.2.dev20260603
libtpu: 0.0.44.dev20260713+nightly
codegen_flags: <defaults>
</compile_context>

<pallas_src>
import functools

import jax
import jax.numpy as jnp
from jax import lax
from jax.experimental import pallas as pl
from jax.experimental.pallas import tpu as pltpu
from jax.experimental.pallas import tpu_sc as plsc

_VOCAB = 256
_BATCH = 4096
_HIST = 50
_HPAD = 56
_TB = 128
_MB = 32

_SB = 128
_NC, _NS = 2, 16
_NW = _NC * _NS
_CH = 112
_PW = _SB * _HPAD // _NW
_NCHUNK = _PW // _CH
_NBUF = 2


def _logits_body(table_ref, w_ref, b_ref, out_ref):
    out_ref[...] = lax.dot_general(
        table_ref[...], w_ref[...], (((1,), (1,)), ((), ())),
        preferred_element_type=jnp.float32) + b_ref[...]


def _compute_logits(table, W, b):
    return pl.pallas_call(
        _logits_body,
        out_shape=jax.ShapeDtypeStruct((_VOCAB, _VOCAB), jnp.float32),
    )(table, W, b.reshape(1, _VOCAB))


@functools.partial(
    pl.kernel,
    mesh=plsc.VectorSubcoreMesh(core_axis_name="c", subcore_axis_name="s"),
    out_type=jax.ShapeDtypeStruct((_SB * _HPAD, _VOCAB), jnp.float32),
    scratch_types=[
        pltpu.VMEM((_NCHUNK, _CH), jnp.int32),
        pltpu.VMEM((_CH, _VOCAB), jnp.float32),
        pltpu.VMEM((_CH, _VOCAB), jnp.float32),
        pltpu.SemaphoreType.DMA,
        pltpu.SemaphoreType.DMA,
        pltpu.SemaphoreType.DMA,
        pltpu.SemaphoreType.DMA,
    ],
)
def _sc_gather(x_hbm, logits_hbm, out_hbm, idx_v, rows0, rows1,
               g0, g1, o0, o1):
    wid = lax.axis_index("s") * _NC + lax.axis_index("c")
    pltpu.sync_copy(x_hbm.at[wid], idx_v)
    base0 = wid * _PW
    bufs = ((rows0, g0, o0), (rows1, g1, o1))

    def g_start(j, b):
        rows, g, _ = bufs[b]
        pltpu.async_copy(logits_hbm.at[idx_v.at[j]], rows, g)

    def g_wait(j, b):
        rows, g, _ = bufs[b]
        pltpu.make_async_copy(logits_hbm.at[idx_v.at[j]], rows, g).wait()

    def s_start(j, b):
        rows, _, o = bufs[b]
        pltpu.async_copy(rows, out_hbm.at[pl.ds(base0 + j * _CH, _CH)], o)

    def s_wait(j, b):
        rows, _, o = bufs[b]
        pltpu.make_async_copy(
            rows, out_hbm.at[pl.ds(base0 + j * _CH, _CH)], o).wait()

    for b in range(_NBUF):
        g_start(b, b)

    def body(i, carry):
        j0 = i * _NBUF
        for b in range(_NBUF):
            g_wait(j0 + b, b)
            s_start(j0 + b, b)
        for b in range(_NBUF):
            s_wait(j0 + b, b)
            g_start(j0 + _NBUF + b, b)
        return carry

    lax.fori_loop(0, _NCHUNK // _NBUF - 1, body, 0)

    j0 = _NCHUNK - _NBUF
    for b in range(_NBUF):
        g_wait(j0 + b, b)
        s_start(j0 + b, b)
    for b in range(_NBUF):
        s_wait(j0 + b, b)


def _onehot_body(x_ref, logits_ref, out_ref):
    lg = logits_ref[...]
    m = _TB * _HPAD
    idx = x_ref[0]
    oht = (idx == lax.broadcasted_iota(
        jnp.int32, (_VOCAB, m), 0)).astype(jnp.bfloat16)
    acc = lax.dot_general(oht, lg, (((0,), (0,)), ((), ())),
                          preferred_element_type=jnp.float32)
    for k in range(_TB):
        out_ref[k] = acc[k * _HPAD:k * _HPAD + _HIST, :]


def _tc_decode(x2, logits_bf):
    off = _SB // _TB
    return pl.pallas_call(
        _onehot_body,
        grid=((_BATCH - _SB) // _TB,),
        in_specs=[
            pl.BlockSpec((1, 1, _TB * _HPAD), lambda i: (off + i, 0, 0)),
            pl.BlockSpec((_VOCAB, _VOCAB), lambda i: (0, 0)),
        ],
        out_specs=pl.BlockSpec((_TB, _HIST, _VOCAB),
                               lambda i: (off + i, 0, 0)),
        out_shape=jax.ShapeDtypeStruct((_BATCH, _HIST, _VOCAB), jnp.float32),
    )(x2, logits_bf)


def _merge_body(sc_ref, outin_ref, out_ref):
    del outin_ref
    acc = sc_ref[...]
    for k in range(_MB):
        out_ref[k] = acc[k * _HPAD:k * _HPAD + _HIST, :]


def _tc_merge(sc2d, out1):
    return pl.pallas_call(
        _merge_body,
        grid=(_SB // _MB,),
        in_specs=[
            pl.BlockSpec((_MB * _HPAD, _VOCAB), lambda i: (i, 0)),
            pl.BlockSpec(memory_space=pl.ANY),
        ],
        out_specs=pl.BlockSpec((_MB, _HIST, _VOCAB), lambda i: (i, 0, 0)),
        out_shape=jax.ShapeDtypeStruct((_BATCH, _HIST, _VOCAB), jnp.float32),
        input_output_aliases={1: 0},
    )(sc2d, out1)


def kernel(x, table, W, b):
    logits = _compute_logits(table, W, b)
    xp = jnp.pad(x.astype(jnp.int32), ((0, 0), (0, _HPAD - _HIST)))
    xsc = xp[:_SB].reshape(_NW, _NCHUNK, _CH)
    sc2d = _sc_gather(xsc, logits)
    x2 = xp.reshape(_BATCH // _TB, 1, _TB * _HPAD)
    out1 = _tc_decode(x2, logits.astype(jnp.bfloat16))
    return _tc_merge(sc2d, out1)

# --- scband reference (transcript-rebuilt; emitter-appended) ---
"""Pipeline reference for scband-en-decoder-36515811950833 (READ-ONLY COPY).

The authoritative reference and input builder live on the scoring server;
editing this copy changes nothing except your own understanding.
"""

import jax, jax.numpy as jnp
import numpy as np

VOCAB = 256
EMB_DIM = 16
BATCH = 4096
HIST = 50

def setup_inputs(seed: int = 0) -> dict:
    key = jax.random.key(seed)
    k1, k2, k3, k4 = jax.random.split(key, 4)
    x = jax.random.randint(k1, (BATCH, HIST), 0, VOCAB, dtype=jnp.int64 if jax.config.jax_enable_x64 else jnp.int32)
    table = jax.random.normal(k2, (VOCAB, EMB_DIM), dtype=jnp.float32)
    # nn.Linear(EMB_DIM, 256): weight [256, EMB_DIM], bias [256]
    bound = 1.0 / np.sqrt(EMB_DIM)
    W = jax.random.uniform(k3, (VOCAB, EMB_DIM), dtype=jnp.float32, minval=-bound, maxval=bound)
    b = jax.random.uniform(k4, (VOCAB,), dtype=jnp.float32, minval=-bound, maxval=bound)
    return {"x": x, "table": table, "W": W, "b": b}

def reference(x, table, W, b):
    emb = jnp.take(table, x, axis=0)          # [B, L, EMB_DIM]  (embedding gather)
    out = jnp.matmul(emb, W.T) + b            # [B, L, 256]      (decoder linear)
    return out

if __name__ == "__main__":
    import jax
    _d = setup_inputs()
    print(jax.jit(kernel)(*tuple(_d.values())))

</pallas_src>

<mosaic_0001>
#map = affine_map<(d0, d1) -> (0, 0, 0)>
#map1 = affine_map<(d0, d1) -> (0, 0)>
module attributes {stable_mosaic.version = 14 : i64} {
  func.func @_sc_gather(%arg0: i32, %arg1: i32, %arg2: memref<32x2x112xi32, #tpu.memory_space<hbm>>, %arg3: memref<256x256xf32, #tpu.memory_space<hbm>>, %arg4: memref<7168x256xf32, #tpu.memory_space<hbm>>, %arg5: memref<2x112xi32, #tpu.memory_space<vmem>>, %arg6: memref<112x256xf32, #tpu.memory_space<vmem>>, %arg7: memref<112x256xf32, #tpu.memory_space<vmem>>, %arg8: memref<!tpu.dma_semaphore, #tpu.memory_space<semaphore_mem>>, %arg9: memref<!tpu.dma_semaphore, #tpu.memory_space<semaphore_mem>>, %arg10: memref<!tpu.dma_semaphore, #tpu.memory_space<semaphore_mem>>, %arg11: memref<!tpu.dma_semaphore, #tpu.memory_space<semaphore_mem>>) attributes {dimension_semantics = [#tpu.dimension_semantics<core_parallel>, #tpu.dimension_semantics<subcore_parallel>], iteration_bounds = array<i64: 2, 16>, scalar_prefetch = 0 : i64, scratch_operands = 7 : i64, tpu.core_type = #tpu.core_type<sc_vector_subcore>, window_params = [{transform_indices = #map}, {transform_indices = #map1}, {transform_indices = #map1}]} {
    %mul3A = arith.constant 2 : i32
    %mul3A_0 = arith.muli %arg1, %mul3A : i32
    %add3A = arith.addi %mul3A_0, %arg0 : i32
    "tpu.region"() ({
      %run_scoped3A = tpu.sem_alloc : memref<!tpu.dma_semaphore, #tpu.memory_space<semaphore_mem>>
      %dma_start3A_57 = arith.constant 0 : i32
      %dma_start3A_58 = arith.constant 0 : i32
      %dma_start3A_59 = tpu.memref_slice %arg2[%add3A, %dma_start3A_57, %dma_start3A_58] : memref<32x2x112xi32, #tpu.memory_space<hbm>> -> memref<1x2x112xi32, #tpu.memory_space<hbm>>
      %dma_start3A_60 = tpu.memref_squeeze %dma_start3A_59 : memref<1x2x112xi32, #tpu.memory_space<hbm>> -> memref<2x112xi32, #tpu.memory_space<hbm>>
      %dma_start3A_61 = arith.constant 0 : i32
      %dma_start3A_62 = arith.constant 0 : i32
      %dma_start3A_63 = tpu.memref_slice %arg2[%add3A, %dma_start3A_61, %dma_start3A_62] : memref<32x2x112xi32, #tpu.memory_space<hbm>> -> memref<1x2x112xi32, #tpu.memory_space<hbm>>
      %dma_start3A_64 = tpu.memref_squeeze %dma_start3A_63 : memref<1x2x112xi32, #tpu.memory_space<hbm>> -> memref<2x112xi32, #tpu.memory_space<hbm>>
      tpu.enqueue_dma source(%dma_start3A_64 : memref<2x112xi32, #tpu.memory_space<hbm>>) target(%arg5 : memref<2x112xi32, #tpu.memory_space<vmem>>) target_semaphore(%run_scoped3A : memref<!tpu.dma_semaphore, #tpu.memory_space<semaphore_mem>>)
      %dma_wait3A_65 = arith.constant 0 : i32
      %dma_wait3A_66 = arith.constant 0 : i32
      %dma_wait3A_67 = tpu.memref_slice %arg2[%add3A, %dma_wait3A_65, %dma_wait3A_66] : memref<32x2x112xi32, #tpu.memory_space<hbm>> -> memref<1x2x112xi32, #tpu.memory_space<hbm>>
      %dma_wait3A_68 = tpu.memref_squeeze %dma_wait3A_67 : memref<1x2x112xi32, #tpu.memory_space<hbm>> -> memref<2x112xi32, #tpu.memory_space<hbm>>
      %dma_wait3A_69 = arith.constant 0 : i32
      %dma_wait3A_70 = arith.constant 0 : i32
      %dma_wait3A_71 = tpu.memref_slice %arg2[%add3A, %dma_wait3A_69, %dma_wait3A_70] : memref<32x2x112xi32, #tpu.memory_space<hbm>> -> memref<1x2x112xi32, #tpu.memory_space<hbm>>
      %dma_wait3A_72 = tpu.memref_squeeze %dma_wait3A_71 : memref<1x2x112xi32, #tpu.memory_space<hbm>> -> memref<2x112xi32, #tpu.memory_space<hbm>>
      tpu.wait_dma2 semaphore(%run_scoped3A : memref<!tpu.dma_semaphore, #tpu.memory_space<semaphore_mem>>) src(%dma_wait3A_72 : memref<2x112xi32, #tpu.memory_space<hbm>>) dst(%arg5 : memref<2x112xi32, #tpu.memory_space<vmem>>)
      tpu.yield
    }) : () -> ()
    %mul3A_1 = arith.constant 224 : i32
    %mul3A_2 = arith.muli %add3A, %mul3A_1 : i32
    %dma_start3A = arith.constant 0 : i32
    %dma_start3A_3 = arith.constant 0 : i32
    %dma_start3A_4 = tpu.memref_slice %arg5[%dma_start3A, %dma_start3A_3] : memref<2x112xi32, #tpu.memory_space<vmem>> -> memref<1x112xi32, #tpu.memory_space<vmem>>
    %dma_start3A_5 = tpu.memref_squeeze %dma_start3A_4 : memref<1x112xi32, #tpu.memory_space<vmem>> -> memref<112xi32, #tpu.memory_space<vmem>>
    %dma_start3A_6 = arith.constant 0 : i32
    %dma_start3A_7 = arith.constant 0 : i32
    %dma_start3A_8 = tpu.memref_slice %arg3[%dma_start3A_6, %dma_start3A_7] : memref<256x256xf32, #tpu.memory_space<hbm>> -> memref<256x256xf32, #tpu.memory_space<hbm>>
    tpu.enqueue_indirect_dma source(%dma_start3A_8 : memref<256x256xf32, #tpu.memory_space<hbm>>) target(%arg6 : memref<112x256xf32, #tpu.memory_space<vmem>>) offsets(%dma_start3A_5 : memref<112xi32, #tpu.memory_space<vmem>>) semaphore(%arg8 : memref<!tpu.dma_semaphore, #tpu.memory_space<semaphore_mem>>)
    %dma_start3A_9 = arith.constant 1 : i32
    %dma_start3A_10 = arith.constant 0 : i32
    %dma_start3A_11 = tpu.memref_slice %arg5[%dma_start3A_9, %dma_start3A_10] : memref<2x112xi32, #tpu.memory_space<vmem>> -> memref<1x112xi32, #tpu.memory_space<vmem>>
    %dma_start3A_12 = tpu.memref_squeeze %dma_start3A_11 : memref<1x112xi32, #tpu.memory_space<vmem>> -> memref<112xi32, #tpu.memory_space<vmem>>
    %dma_start3A_13 = arith.constant 0 : i32
    %dma_start3A_14 = arith.constant 0 : i32
    %dma_start3A_15 = tpu.memref_slice %arg3[%dma_start3A_13, %dma_start3A_14] : memref<256x256xf32, #tpu.memory_space<hbm>> -> memref<256x256xf32, #tpu.memory_space<hbm>>
    tpu.enqueue_indirect_dma source(%dma_start3A_15 : memref<256x256xf32, #tpu.memory_space<hbm>>) target(%arg7 : memref<112x256xf32, #tpu.memory_space<vmem>>) offsets(%dma_start3A_12 : memref<112xi32, #tpu.memory_space<vmem>>) semaphore(%arg9 : memref<!tpu.dma_semaphore, #tpu.memory_space<semaphore_mem>>)
    %scan3A = arith.constant 0 : i32
    %scan3A_16 = arith.constant 0 : i32
    %scan3A_17 = arith.constant 0 : i32
    %scan3A_18 = arith.addi %scan3A_16, %scan3A_17 : i32
    %scan3A_19 = arith.constant 0 : i32
    %dma_wait3A = arith.constant 0 : i32
    %dma_wait3A_20 = arith.constant 0 : i32
    %dma_wait3A_21 = tpu.memref_slice %arg5[%dma_wait3A, %dma_wait3A_20] : memref<2x112xi32, #tpu.memory_space<vmem>> -> memref<1x112xi32, #tpu.memory_space<vmem>>
    %dma_wait3A_22 = tpu.memref_squeeze %dma_wait3A_21 : memref<1x112xi32, #tpu.memory_space<vmem>> -> memref<112xi32, #tpu.memory_space<vmem>>
    %dma_wait3A_23 = arith.constant 0 : i32
    %dma_wait3A_24 = arith.constant 0 : i32
    %dma_wait3A_25 = tpu.memref_slice %arg3[%dma_wait3A_23, %dma_wait3A_24] : memref<256x256xf32, #tpu.memory_space<hbm>> -> memref<256x256xf32, #tpu.memory_space<hbm>>
    tpu.wait_indirect_dma semaphore(%arg8 : memref<!tpu.dma_semaphore, #tpu.memory_space<semaphore_mem>>) src(%dma_wait3A_25 : memref<256x256xf32, #tpu.memory_space<hbm>>) dst(%arg6 : memref<112x256xf32, #tpu.memory_space<vmem>>)
    %add3A_26 = arith.constant 0 : i32
    %add3A_27 = arith.addi %mul3A_2, %add3A_26 : i32
    %dma_start3A_28 = arith.constant 0 : i32
    %dma_start3A_29 = tpu.memref_slice %arg4[%add3A_27, %dma_start3A_28] : memref<7168x256xf32, #tpu.memory_space<hbm>> -> memref<112x256xf32, #tpu.memory_space<hbm>>
    %dma_start3A_30 = arith.constant 0 : i32
    %dma_start3A_31 = tpu.memref_slice %arg4[%add3A_27, %dma_start3A_30] : memref<7168x256xf32, #tpu.memory_space<hbm>> -> memref<112x256xf32, #tpu.memory_space<hbm>>
    tpu.enqueue_dma source(%arg6 : memref<112x256xf32, #tpu.memory_space<vmem>>) target(%dma_start3A_31 : memref<112x256xf32, #tpu.memory_space<hbm>>) target_semaphore(%arg10 : memref<!tpu.dma_semaphore, #tpu.memory_space<semaphore_mem>>)
    %dma_wait3A_32 = arith.constant 1 : i32
    %dma_wait3A_33 = arith.constant 0 : i32
    %dma_wait3A_34 = tpu.memref_slice %arg5[%dma_wait3A_32, %dma_wait3A_33] : memref<2x112xi32, #tpu.memory_space<vmem>> -> memref<1x112xi32, #tpu.memory_space<vmem>>
    %dma_wait3A_35 = tpu.memref_squeeze %dma_wait3A_34 : memref<1x112xi32, #tpu.memory_space<vmem>> -> memref<112xi32, #tpu.memory_space<vmem>>
    %dma_wait3A_36 = arith.constant 0 : i32
    %dma_wait3A_37 = arith.constant 0 : i32
    %dma_wait3A_38 = tpu.memref_slice %arg3[%dma_wait3A_36, %dma_wait3A_37] : memref<256x256xf32, #tpu.memory_space<hbm>> -> memref<256x256xf32, #tpu.memory_space<hbm>>
    tpu.wait_indirect_dma semaphore(%arg9 : memref<!tpu.dma_semaphore, #tpu.memory_space<semaphore_mem>>) src(%dma_wait3A_38 : memref<256x256xf32, #tpu.memory_space<hbm>>) dst(%arg7 : memref<112x256xf32, #tpu.memory_space<vmem>>)
    %add3A_39 = arith.constant 112 : i32
    %add3A_40 = arith.addi %mul3A_2, %add3A_39 : i32
    %dma_start3A_41 = arith.constant 0 : i32
    %dma_start3A_42 = tpu.memref_slice %arg4[%add3A_40, %dma_start3A_41] : memref<7168x256xf32, #tpu.memory_space<hbm>> -> memref<112x256xf32, #tpu.memory_space<hbm>>
    %dma_start3A_43 = arith.constant 0 : i32
    %dma_start3A_44 = tpu.memref_slice %arg4[%add3A_40, %dma_start3A_43] : memref<7168x256xf32, #tpu.memory_space<hbm>> -> memref<112x256xf32, #tpu.memory_space<hbm>>
    tpu.enqueue_dma source(%arg7 : memref<112x256xf32, #tpu.memory_space<vmem>>) target(%dma_start3A_44 : memref<112x256xf32, #tpu.memory_space<hbm>>) target_semaphore(%arg11 : memref<!tpu.dma_semaphore, #tpu.memory_space<semaphore_mem>>)
    %add3A_45 = arith.constant 0 : i32
    %add3A_46 = arith.addi %mul3A_2, %add3A_45 : i32
    %dma_wait3A_47 = arith.constant 0 : i32
    %dma_wait3A_48 = tpu.memref_slice %arg4[%add3A_46, %dma_wait3A_47] : memref<7168x256xf32, #tpu.memory_space<hbm>> -> memref<112x256xf32, #tpu.memory_space<hbm>>
    %dma_wait3A_49 = arith.constant 0 : i32
    %dma_wait3A_50 = tpu.memref_slice %arg4[%add3A_46, %dma_wait3A_49] : memref<7168x256xf32, #tpu.memory_space<hbm>> -> memref<112x256xf32, #tpu.memory_space<hbm>>
    tpu.wait_dma2 semaphore(%arg10 : memref<!tpu.dma_semaphore, #tpu.memory_space<semaphore_mem>>) src(%arg6 : memref<112x256xf32, #tpu.memory_space<vmem>>) dst(%dma_wait3A_50 : memref<112x256xf32, #tpu.memory_space<hbm>>)
    %add3A_51 = arith.constant 112 : i32
    %add3A_52 = arith.addi %mul3A_2, %add3A_51 : i32
    %dma_wait3A_53 = arith.constant 0 : i32
    %dma_wait3A_54 = tpu.memref_slice %arg4[%add3A_52, %dma_wait3A_53] : memref<7168x256xf32, #tpu.memory_space<hbm>> -> memref<112x256xf32, #tpu.memory_space<hbm>>
    %dma_wait3A_55 = arith.constant 0 : i32
    %dma_wait3A_56 = tpu.memref_slice %arg4[%add3A_52, %dma_wait3A_55] : memref<7168x256xf32, #tpu.memory_space<hbm>> -> memref<112x256xf32, #tpu.memory_space<hbm>>
    tpu.wait_dma2 semaphore(%arg11 : memref<!tpu.dma_semaphore, #tpu.memory_space<semaphore_mem>>) src(%arg7 : memref<112x256xf32, #tpu.memory_space<vmem>>) dst(%dma_wait3A_56 : memref<112x256xf32, #tpu.memory_space<hbm>>)
    return
  }
}

module attributes {stable_mosaic.version = 14 : i64} {
  func.func @_logits_body(%arg0: memref<256x16xf32, #tpu.memory_space<vmem>>, %arg1: memref<256x16xf32, #tpu.memory_space<vmem>>, %arg2: memref<1x256xf32, #tpu.memory_space<vmem>>, %arg3: memref<256x256xf32, #tpu.memory_space<vmem>>) attributes {dimension_semantics = [], scalar_prefetch = 0 : i64, scratch_operands = 0 : i64, tpu.core_type = #tpu.core_type<tc>} {
    %get3A = arith.constant 0 : index
    %get3A_0 = arith.constant 0 : index
    %get3A_1 = vector.load %arg0[%get3A, %get3A_0] : memref<256x16xf32, #tpu.memory_space<vmem>>, vector<256x16xf32>
    %get3A_2 = arith.constant 0 : index
    %get3A_3 = arith.constant 0 : index
    %get3A_4 = vector.load %arg1[%get3A_2, %get3A_3] : memref<256x16xf32, #tpu.memory_space<vmem>>, vector<256x16xf32>
    %dot_general3A = arith.constant dense<0.000000e+00> : vector<256x256xf32>
    %dot_general3A_5 = tpu.matmul %get3A_1, %get3A_4, %dot_general3A {dimension_numbers = #tpu.dot_dimension_numbers<[1], [1], [0], [0], [0, 0, 1, 0], [], []>, transpose_lhs_hint = false} : vector<256x16xf32>, vector<256x16xf32>, vector<256x256xf32> -> vector<256x256xf32>
    %get3A_6 = arith.constant 0 : index
    %get3A_7 = arith.constant 0 : index
    %get3A_8 = vector.load %arg2[%get3A_6, %get3A_7] : memref<1x256xf32, #tpu.memory_space<vmem>>, vector<1x256xf32>
    %add3A = vector.broadcast %get3A_8 : vector<1x256xf32> to vector<256x256xf32>
    %add3A_9 = arith.addf %dot_general3A_5, %add3A : vector<256x256xf32>
    %swap3A = arith.constant 0 : index
    %swap3A_10 = arith.constant 0 : index
    %swap3A_11 = vector.load %arg3[%swap3A, %swap3A_10] : memref<256x256xf32, #tpu.memory_space<vmem>>, vector<256x256xf32>
    tpu.vector_store %arg3[%swap3A, %swap3A_10], %add3A_9 {strides = array<i32>} : memref<256x256xf32, #tpu.memory_space<vmem>>, vector<256x256xf32>,
    return
  }
}

module attributes {stable_mosaic.version = 14 : i64} {
  func.func @_onehot_body(%arg0: i32, %arg1: memref<1x1x7168xi32, #tpu.memory_space<vmem>>, %arg2: memref<256x256xbf16, #tpu.memory_space<vmem>>, %arg3: memref<128x50x256xf32, #tpu.memory_space<vmem>>) attributes {dimension_semantics = [#tpu.dimension_semantics<arbitrary>], iteration_bounds = array<i64: 31>, scalar_prefetch = 0 : i64, scratch_operands = 0 : i64, tpu.core_type = #tpu.core_type<tc>, window_params = [{transform_indices = @transform_0, window_bounds = array<i64: 1, 1, 7168>}, {pipeline_mode = #tpu.pipeline_mode<synchronous>, transform_indices = @transform_1, window_bounds = array<i64: 256, 256>}, {transform_indices = @transform_2, window_bounds = array<i64: 128, 50, 256>}]} {
    %get3A = arith.constant 0 : index
    %get3A_0 = arith.constant 0 : index
    %get3A_1 = vector.load %arg2[%get3A, %get3A_0] : memref<256x256xbf16, #tpu.memory_space<vmem>>, vector<256x256xbf16>
    %get3A_2 = arith.constant 0 : index
    %get3A_3 = arith.constant 0 : index
    %get3A_4 = arith.constant 0 : index
    %get3A_5 = vector.load %arg1[%get3A_2, %get3A_3, %get3A_4] : memref<1x1x7168xi32, #tpu.memory_space<vmem>>, vector<1x1x7168xi32>
    %get3A_6 = vector.shape_cast %get3A_5 : vector<1x1x7168xi32> to vector<1x7168xi32>
    %iota3A = tpu.iota {dimensions = array<i32: 0>} : vector<256x7168xi32>
    %eq3A = vector.broadcast %get3A_6 : vector<1x7168xi32> to vector<256x7168xi32>
    %eq3A_7 = arith.cmpi eq, %eq3A, %iota3A : vector<256x7168xi32>
    %convert_element_type3A = arith.extui %eq3A_7 : vector<256x7168xi1> to vector<256x7168xi32>
    %convert_element_type3A_8 = arith.sitofp %convert_element_type3A : vector<256x7168xi32> to vector<256x7168xf32>
    %convert_element_type3A_9 = arith.truncf %convert_element_type3A_8 : vector<256x7168xf32> to vector<256x7168xbf16>
    %dot_general3A = arith.constant dense<0.000000e+00> : vector<7168x256xf32>
    %dot_general3A_10 = tpu.matmul %convert_element_type3A_9, %get3A_1, %dot_general3A {dimension_numbers = #tpu.dot_dimension_numbers<[0], [0], [1], [1], [0, 1, 1, 1], [], []>, transpose_lhs_hint = false} : vector<256x7168xbf16>, vector<256x256xbf16>, vector<7168x256xf32> -> vector<7168x256xf32>
    %slice3A = vector.extract_strided_slice %dot_general3A_10 {offsets = [0, 0], sizes = [50, 256], strides = [1, 1]} : vector<7168x256xf32> to vector<50x256xf32>
    %swap3A = arith.constant 0 : index
    %swap3A_11 = arith.constant 0 : index
    %swap3A_12 = arith.constant 0 : index
    %swap3A_13 = vector.load %arg3[%swap3A, %swap3A_11, %swap3A_12] : memref<128x50x256xf32, #tpu.memory_space<vmem>>, vector<1x50x256xf32>
    %swap3A_14 = vector.shape_cast %swap3A_13 : vector<1x50x256xf32> to vector<50x256xf32>
    %swap3A_15 = vector.shape_cast %slice3A : vector<50x256xf32> to vector<1x50x256xf32>
    tpu.vector_store %arg3[%swap3A, %swap3A_11, %swap3A_12], %swap3A_15 {strides = array<i32>} : memref<128x50x256xf32, #tpu.memory_space<vmem>>, vector<1x50x256xf32>,
    %slice3A_16 = vector.extract_strided_slice %dot_general3A_10 {offsets = [56, 0], sizes = [50, 256], strides = [1, 1]} : vector<7168x256xf32> to vector<50x256xf32>
    %swap3A_17 = arith.constant 1 : index
    %swap3A_18 = arith.constant 0 : index
    %swap3A_19 = arith.constant 0 : index
    %swap3A_20 = vector.load %arg3[%swap3A_17, %swap3A_18, %swap3A_19] : memref<128x50x256xf32, #tpu.memory_space<vmem>>, vector<1x50x256xf32>
    %swap3A_21 = vector.shape_cast %swap3A_20 : vector<1x50x256xf32> to vector<50x256xf32>
    %swap3A_22 = vector.shape_cast %slice3A_16 : vector<50x256xf32> to vector<1x50x256xf32>
    tpu.vector_store %arg3[%swap3A_17, %swap3A_18, %swap3A_19], %swap3A_22 {strides = array<i32>} : memref<128x50x256xf32, #tpu.memory_space<vmem>>, vector<1x50x256xf32>,
    %slice3A_23 = vector.extract_strided_slice %dot_general3A_10 {offsets = [112, 0], sizes = [50, 256], strides = [1, 1]} : vector<7168x256xf32> to vector<50x256xf32>
    %swap3A_24 = arith.constant 2 : index
    %swap3A_25 = arith.constant 0 : index
    %swap3A_26 = arith.constant 0 : index
    %swap3A_27 = vector.load %arg3[%swap3A_24, %swap3A_25, %swap3A_26] : memref<128x50x256xf32, #tpu.memory_space<vmem>>, vector<1x50x256xf32>
    %swap3A_28 = vector.shape_cast %swap3A_27 : vector<1x50x256xf32> to vector<50x256xf32>
    %swap3A_29 = vector.shape_cast %slice3A_23 : vector<50x256xf32> to vector<1x50x256xf32>
    tpu.vector_store %arg3[%swap3A_24, %swap3A_25, %swap3A_26], %swap3A_29 {strides = array<i32>} : memref<128x50x256xf32, #tpu.memory_space<vmem>>, vector<1x50x256xf32>,
    %slice3A_30 = vector.extract_strided_slice %dot_general3A_10 {offsets = [168, 0], sizes = [50, 256], strides = [1, 1]} : vector<7168x256xf32> to vector<50x256xf32>
    %swap3A_31 = arith.constant 3 : index
    %swap3A_32 = arith.constant 0 : index
    %swap3A_33 = arith.constant 0 : index
    %swap3A_34 = vector.load %arg3[%swap3A_31, %swap3A_32, %swap3A_33] : memref<128x50x256xf32, #tpu.memory_space<vmem>>, vector<1x50x256xf32>
    %swap3A_35 = vector.shape_cast %swap3A_34 : vector<1x50x256xf32> to vector<50x256xf32>
    %swap3A_36 = vector.shape_cast %slice3A_30 : vector<50x256xf32> to vector<1x50x256xf32>
    tpu.vector_store %arg3[%swap3A_31, %swap3A_32, %swap3A_33], %swap3A_36 {strides = array<i32>} : memref<128x50x256xf32, #tpu.memory_space<vmem>>, vector<1x50x256xf32>,
    %slice3A_37 = vector.extract_strided_slice %dot_general3A_10 {offsets = [224, 0], sizes = [50, 256], strides = [1, 1]} : vector<7168x256xf32> to vector<50x256xf32>
    %swap3A_38 = arith.constant 4 : index
    %swap3A_39 = arith.constant 0 : index
    %swap3A_40 = arith.constant 0 : index
    %swap3A_41 = vector.load %arg3[%swap3A_38, %swap3A_39, %swap3A_40] : memref<128x50x256xf32, #tpu.memory_space<vmem>>, vector<1x50x256xf32>
    %swap3A_42 = vector.shape_cast %swap3A_41 : vector<1x50x256xf32> to vector<50x256xf32>
    %swap3A_43 = vector.shape_cast %slice3A_37 : vector<50x256xf32> to vector<1x50x256xf32>
    tpu.vector_store %arg3[%swap3A_38, %swap3A_39, %swap3A_40], %swap3A_43 {strides = array<i32>} : memref<128x50x256xf32, #tpu.memory_space<vmem>>, vector<1x50x256xf32>,
    %slice3A_44 = vector.extract_strided_slice %dot_general3A_10 {offsets = [280, 0], sizes = [50, 256], strides = [1, 1]} : vector<7168x256xf32> to vector<50x256xf32>
    %swap3A_45 = arith.constant 5 : index
    %swap3A_46 = arith.constant 0 : index
    %swap3A_47 = arith.constant 0 : index
    %swap3A_48 = vector.load %arg3[%swap3A_45, %swap3A_46, %swap3A_47] : memref<128x50x256xf32, #tpu.memory_space<vmem>>, vector<1x50x256xf32>
    %swap3A_49 = vector.shape_cast %swap3A_48 : vector<1x50x256xf32> to vector<50x256xf32>
    %swap3A_50 = vector.shape_cast %slice3A_44 : vector<50x256xf32> to vector<1x50x256xf32>
    tpu.vector_store %arg3[%swap3A_45, %swap3A_46, %swap3A_47], %swap3A_50 {strides = array<i32>} : memref<128x50x256xf32, #tpu.memory_space<vmem>>, vector<1x50x256xf32>,
    %slice3A_51 = vector.extract_strided_slice %dot_general3A_10 {offsets = [336, 0], sizes = [50, 256], strides = [1, 1]} : vector<7168x256xf32> to vector<50x256xf32>
    %swap3A_52 = arith.constant 6 : index
    %swap3A_53 = arith.constant 0 : index
    %swap3A_54 = arith.constant 0 : index
    %swap3A_55 = vector.load %arg3[%swap3A_52, %swap3A_53, %swap3A_54] : memref<128x50x256xf32, #tpu.memory_space<vmem>>, vector<1x50x256xf32>
    %swap3A_56 = vector.shape_cast %swap3A_55 : vector<1x50x256xf32> to vector<50x256xf32>
    %swap3A_57 = vector.shape_cast %slice3A_51 : vector<50x256xf32> to vector<1x50x256xf32>
    tpu.vector_store %arg3[%swap3A_52, %swap3A_53, %swap3A_54], %swap3A_57 {strides = array<i32>} : memref<128x50x256xf32, #tpu.memory_space<vmem>>, vector<1x50x256xf32>,
    %slice3A_58 = vector.extract_strided_slice %dot_general3A_10 {offsets = [392, 0], sizes = [50, 256], strides = [1, 1]} : vector<7168x256xf32> to vector<50x256xf32>
    %swap3A_59 = arith.constant 7 : index
    %swap3A_60 = arith.constant 0 : index
    %swap3A_61 = arith.constant 0 : index
    %swap3A_62 = vector.load %arg3[%swap3A_59, %swap3A_60, %swap3A_61] : memref<128x50x256xf32, #tpu.memory_space<vmem>>, vector<1x50x256xf32>
    %swap3A_63 = vector.shape_cast %swap3A_62 : vector<1x50x256xf32> to vector<50x256xf32>
    %swap3A_64 = vector.shape_cast %slice3A_58 : vector<50x256xf32> to vector<1x50x256xf32>
    tpu.vector_store %arg3[%swap3A_59, %swap3A_60, %swap3A_61], %swap3A_64 {strides = array<i32>} : memref<128x50x256xf32, #tpu.memory_space<vmem>>, vector<1x50x256xf32>,
    %slice3A_65 = vector.extract_strided_slice %dot_general3A_10 {offsets = [448, 0], sizes = [50, 256], strides = [1, 1]} : vector<7168x256xf32> to vector<50x256xf32>
    %swap3A_66 = arith.constant 8 : index
    %swap3A_67 = arith.constant 0 : index
    %swap3A_68 = arith.constant 0 : index
    %swap3A_69 = vector.load %arg3[%swap3A_66, %swap3A_67, %swap3A_68] : memref<128x50x256xf32, #tpu.memory_space<vmem>>, vector<1x50x256xf32>
    %swap3A_70 = vector.shape_cast %swap3A_69 : vector<1x50x256xf32> to vector<50x256xf32>
    %swap3A_71 = vector.shape_cast %slice3A_65 : vector<50x256xf32> to vector<1x50x256xf32>
    tpu.vector_store %arg3[%swap3A_66, %swap3A_67, %swap3A_68], %swap3A_71 {strides = array<i32>} : memref<128x50x256xf32, #tpu.memory_space<vmem>>, vector<1x50x256xf32>,
    %slice3A_72 = vector.extract_strided_slice %dot_general3A_10 {offsets = [504, 0], sizes = [50, 256], strides = [1, 1]} : vector<7168x256xf32> to vector<50x256xf32>
    %swap3A_73 = arith.constant 9 : index
    %swap3A_74 = arith.constant 0 : index
    %swap3A_75 = arith.constant 0 : index
    %swap3A_76 = vector.load %arg3[%swap3A_73, %swap3A_74, %swap3A_75] : memref<128x50x256xf32, #tpu.memory_space<vmem>>, vector<1x50x256xf32>
    %swap3A_77 = vector.shape_cast %swap3A_76 : vector<1x50x256xf32> to vector<50x256xf32>
    %swap3A_78 = vector.shape_cast %slice3A_72 : vector<50x256xf32> to vector<1x50x256xf32>
    tpu.vector_store %arg3[%swap3A_73, %swap3A_74, %swap3A_75], %swap3A_78 {strides = array<i32>} : memref<128x50x256xf32, #tpu.memory_space<vmem>>, vector<1x50x256xf32>,
    %slice3A_79 = vector.extract_strided_slice %dot_general3A_10 {offsets = [560, 0], sizes = [50, 256], strides = [1, 1]} : vector<7168x256xf32> to vector<50x256xf32>
    %swap3A_80 = arith.constant 10 : index
    %swap3A_81 = arith.constant 0 : index
    %swap3A_82 = arith.constant 0 : index
    %swap3A_83 = vector.load %arg3[%swap3A_80, %swap3A_81, %swap3A_82] : memref<128x50x256xf32, #tpu.memory_space<vmem>>, vector<1x50x256xf32>
    %swap3A_84 = vector.shape_cast %swap3A_83 : vector<1x50x256xf32> to vector<50x256xf32>
    %swap3A_85 = vector.shape_cast %slice3A_79 : vector<50x256xf32> to vector<1x50x256xf32>
    tpu.vector_store %arg3[%swap3A_80, %swap3A_81, %swap3A_82], %swap3A_85 {strides = array<i32>} : memref<128x50x256xf32, #tpu.memory_space<vmem>>, vector<1x50x256xf32>,
    %slice3A_86 = vector.extract_strided_slice %dot_general3A_10 {offsets = [616, 0], sizes = [50, 256], strides = [1, 1]} : vector<7168x256xf32> to vector<50x256xf32>
    %swap3A_87 = arith.constant 11 : index
    %swap3A_88 = arith.constant 0 : index
    %swap3A_89 = arith.constant 0 : index
    %swap3A_90 = vector.load %arg3[%swap3A_87, %swap3A_88, %swap3A_89] : memref<128x50x256xf32, #tpu.memory_space<vmem>>, vector<1x50x256xf32>
    %swap3A_91 = vector.shape_cast %swap3A_90 : vector<1x50x256xf32> to vector<50x256xf32>
    %swap3A_92 = vector.shape_cast %slice3A_86 : vector<50x256xf32> to vector<1x50x256xf32>
    tpu.vector_store %arg3[%swap3A_87, %swap3A_88, %swap3A_89], %swap3A_92 {strides = array<i32>} : memref<128x50x256xf32, #tpu.memory_space<vmem>>, vector<1x50x256xf32>,
    %slice3A_93 = vector.extract_strided_slice %dot_general3A_10 {offsets = [672, 0], sizes = [50, 256], strides = [1, 1]} : vector<7168x256xf32> to vector<50x256xf32>
    %swap3A_94 = arith.constant 12 : index
    %swap3A_95 = arith.constant 0 : index
    %swap3A_96 = arith.constant 0 : index
    %swap3A_97 = vector.load %arg3[%swap3A_94, %swap3A_95, %swap3A_96] : memref<128x50x256xf32, #tpu.memory_space<vmem>>, vector<1x50x256xf32>
    %swap3A_98 = vector.shape_cast %swap3A_97 : vector<1x50x256xf32> to vector<50x256xf32>
    %swap3A_99 = vector.shape_cast %slice3A_93 : vector<50x256xf32> to vector<1x50x256xf32>
    tpu.vector_store %arg3[%swap3A_94, %swap3A_95, %swap3A_96], %swap3A_99 {strides = array<i32>} : memref<128x50x256xf32, #tpu.memory_space<vmem>>, vector<1x50x256xf32>,
    %slice3A_100 = vector.extract_strided_slice %dot_general3A_10 {offsets = [728, 0], sizes = [50, 256], strides = [1, 1]} : vector<7168x256xf32> to vector<50x256xf32>
    %swap3A_101 = arith.constant 13 : index
    %swap3A_102 = arith.constant 0 : index
    %swap3A_103 = arith.constant 0 : index
    %swap3A_104 = vector.load %arg3[%swap3A_101, %swap3A_102, %swap3A_103] : memref<128x50x256xf32, #tpu.memory_space<vmem>>, vector<1x50x256xf32>
    %swap3A_105 = vector.shape_cast %swap3A_104 : vector<1x50x256xf32> to vector<50x256xf32>
    %swap3A_106 = vector.shape_cast %slice3A_100 : vector<50x256xf32> to vector<1x50x256xf32>
    tpu.vector_store %arg3[%swap3A_101, %swap3A_102, %swap3A_103], %swap3A_106 {strides = array<i32>} : memref<128x50x256xf32, #tpu.memory_space<vmem>>, vector<1x50x256xf32>,
    %slice3A_107 = vector.extract_strided_slice %dot_general3A_10 {offsets = [784, 0], sizes = [50, 256], strides = [1, 1]} : vector<7168x256xf32> to vector<50x256xf32>
    %swap3A_108 = arith.constant 14 : index
    %swap3A_109 = arith.constant 0 : index
    %swap3A_110 = arith.constant 0 : index
    %swap3A_111 = vector.load %arg3[%swap3A_108, %swap3A_109, %swap3A_110] : memref<128x50x256xf32, #tpu.memory_space<vmem>>, vector<1x50x256xf32>
    %swap3A_112 = vector.shape_cast %swap3A_111 : vector<1x50x256xf32> to vector<50x256xf32>
    %swap3A_113 = vector.shape_cast %slice3A_107 : vector<50x256xf32> to vector<1x50x256xf32>
    tpu.vector_store %arg3[%swap3A_108, %swap3A_109, %swap3A_110], %swap3A_113 {strides = array<i32>} : memref<128x50x256xf32, #tpu.memory_space<vmem>>, vector<1x50x256xf32>,
    %slice3A_114 = vector.extract_strided_slice %dot_general3A_10 {offsets = [840, 0], sizes = [50, 256], strides = [1, 1]} : vector<7168x256xf32> to vector<50x256xf32>
    %swap3A_115 = arith.constant 15 : index
    %swap3A_116 = arith.constant 0 : index
    %swap3A_117 = arith.constant 0 : index
    %swap3A_118 = vector.load %arg3[%swap3A_115, %swap3A_116, %swap3A_117] : memref<128x50x256xf32, #tpu.memory_space<vmem>>, vector<1x50x256xf32>
    %swap3A_119 = vector.shape_cast %swap3A_118 : vector<1x50x256xf32> to vector<50x256xf32>
    %swap3A_120 = vector.shape_cast %slice3A_114 : vector<50x256xf32> to vector<1x50x256xf32>
    tpu.vector_store %arg3[%swap3A_115, %swap3A_116, %swap3A_117], %swap3A_120 {strides = array<i32>} : memref<128x50x256xf32, #tpu.memory_space<vmem>>, vector<1x50x256xf32>,
    %slice3A_121 = vector.extract_strided_slice %dot_general3A_10 {offsets = [896, 0], sizes = [50, 256], strides = [1, 1]} : vector<7168x256xf32> to vector<50x256xf32>
    %swap3A_122 = arith.constant 16 : index
    %swap3A_123 = arith.constant 0 : index
    %swap3A_124 = arith.constant 0 : index
    %swap3A_125 = vector.load %arg3[%swap3A_122, %swap3A_123, %swap3A_124] : memref<128x50x256xf32, #tpu.memory_space<vmem>>, vector<1x50x256xf32>
    %swap3A_126 = vector.shape_cast %swap3A_125 : vector<1x50x256xf32> to vector<50x256xf32>
    %swap3A_127 = vector.shape_cast %slice3A_121 : vector<50x256xf32> to vector<1x50x256xf32>
    tpu.vector_store %arg3[%swap3A_122, %swap3A_123, %swap3A_124], %swap3A_127 {strides = array<i32>} : memref<128x50x256xf32, #tpu.memory_space<vmem>>, vector<1x50x256xf32>,
    %slice3A_128 = vector.extract_strided_slice %dot_general3A_10 {offsets = [952, 0], sizes = [50, 256], strides = [1, 1]} : vector<7168x256xf32> to vector<50x256xf32>
    %swap3A_129 = arith.constant 17 : index
    %swap3A_130 = arith.constant 0 : index
    %swap3A_131 = arith.constant 0 : index
    %swap3A_132 = vector.load %arg3[%swap3A_129, %swap3A_130, %swap3A_131] : memref<128x50x256xf32, #tpu.memory_space<vmem>>, vector<1x50x256xf32>
    %swap3A_133 = vector.shape_cast %swap3A_132 : vector<1x50x256xf32> to vector<50x256xf32>
    %swap3A_134 = vector.shape_cast %slice3A_128 : vector<50x256xf32> to vector<1x50x256xf32>
    tpu.vector_store %arg3[%swap3A_129, %swap3A_130, %swap3A_131], %swap3A_134 {strides = array<i32>} : memref<128x50x256xf32, #tpu.memory_space<vmem>>, vector<1x50x256xf32>,
    %slice3A_135 = vector.extract_strided_slice %dot_general3A_10 {offsets = [1008, 0], sizes = [50, 256], strides = [1, 1]} : vector<7168x256xf32> to vector<50x256xf32>
    %swap3A_136 = arith.constant 18 : index
    %swap3A_137 = arith.constant 0 : index
    %swap3A_138 = arith.constant 0 : index
    %swap3A_139 = vector.load %arg3[%swap3A_136, %swap3A_137, %swap3A_138] : memref<128x50x256xf32, #tpu.memory_space<vmem>>, vector<1x50x256xf32>
    %swap3A_140 = vector.shape_cast %swap3A_139 : vector<1x50x256xf32> to vector<50x256xf32>
    %swap3A_141 = vector.shape_cast %slice3A_135 : vector<50x256xf32> to vector<1x50x256xf32>
    tpu.vector_store %arg3[%swap3A_136, %swap3A_137, %swap3A_138], %swap3A_141 {strides = array<i32>} : memref<128x50x256xf32, #tpu.memory_space<vmem>>, vector<1x50x256xf32>,
    %slice3A_142 = vector.extract_strided_slice %dot_general3A_10 {offsets = [1064, 0], sizes = [50, 256], strides = [1, 1]} : vector<7168x256xf32> to vector<50x256xf32>
    %swap3A_143 = arith.constant 19 : index
    %swap3A_144 = arith.constant 0 : index
    %swap3A_145 = arith.constant 0 : index
    %swap3A_146 = vector.load %arg3[%swap3A_143, %swap3A_144, %swap3A_145] : memref<128x50x256xf32, #tpu.memory_space<vmem>>, vector<1x50x256xf32>
    %swap3A_147 = vector.shape_cast %swap3A_146 : vector<1x50x256xf32> to vector<50x256xf32>
    %swap3A_148 = vector.shape_cast %slice3A_142 : vector<50x256xf32> to vector<1x50x256xf32>
    tpu.vector_store %arg3[%swap3A_143, %swap3A_144, %swap3A_145], %swap3A_148 {strides = array<i32>} : memref<128x50x256xf32, #tpu.memory_space<vmem>>, vector<1x50x256xf32>,
    %slice3A_149 = vector.extract_strided_slice %dot_general3A_10 {offsets = [1120, 0], sizes = [50, 256], strides = [1, 1]} : vector<7168x256xf32> to vector<50x256xf32>
    %swap3A_150 = arith.constant 20 : index
    %swap3A_151 = arith.constant 0 : index
    %swap3A_152 = arith.constant 0 : index
    %swap3A_153 = vector.load %arg3[%swap3A_150, %swap3A_151, %swap3A_152] : memref<128x50x256xf32, #tpu.memory_space<vmem>>, vector<1x50x256xf32>
    %swap3A_154 = vector.shape_cast %swap3A_153 : vector<1x50x256xf32> to vector<50x256xf32>
    %swap3A_155 = vector.shape_cast %slice3A_149 : vector<50x256xf32> to vector<1x50x256xf32>
    tpu.vector_store %arg3[%swap3A_150, %swap3A_151, %swap3A_152], %swap3A_155 {strides = array<i32>} : memref<128x50x256xf32, #tpu.memory_space<vmem>>, vector<1x50x256xf32>,
    %slice3A_156 = vector.extract_strided_slice %dot_general3A_10 {offsets = [1176, 0], sizes = [50, 256], strides = [1, 1]} : vector<7168x256xf32> to vector<50x256xf32>
    %swap3A_157 = arith.constant 21 : index
    %swap3A_158 = arith.constant 0 : index
    %swap3A_159 = arith.constant 0 : index
    %swap3A_160 = vector.load %arg3[%swap3A_157, %swap3A_158, %swap3A_159] : memref<128x50x256xf32, #tpu.memory_space<vmem>>, vector<1x50x256xf32>
    %swap3A_161 = vector.shape_cast %swap3A_160 : vector<1x50x256xf32> to vector<50x256xf32>
    %swap3A_162 = vector.shape_cast %slice3A_156 : vector<50x256xf32> to vector<1x50x256xf32>
    tpu.vector_store %arg3[%swap3A_157, %swap3A_158, %swap3A_159], %swap3A_162 {strides = array<i32>} : memref<128x50x256xf32, #tpu.memory_space<vmem>>, vector<1x50x256xf32>,
    %slice3A_163 = vector.extract_strided_slice %dot_general3A_10 {offsets = [1232, 0], sizes = [50, 256], strides = [1, 1]} : vector<7168x256xf32> to vector<50x256xf32>
    %swap3A_164 = arith.constant 22 : index
    %swap3A_165 = arith.constant 0 : index
    %swap3A_166 = arith.constant 0 : index
    %swap3A_167 = vector.load %arg3[%swap3A_164, %swap3A_165, %swap3A_166] : memref<128x50x256xf32, #tpu.memory_space<vmem>>, vector<1x50x256xf32>
    %swap3A_168 = vector.shape_cast %swap3A_167 : vector<1x50x256xf32> to vector<50x256xf32>
    %swap3A_169 = vector.shape_cast %slice3A_163 : vector<50x256xf32> to vector<1x50x256xf32>
    tpu.vector_store %arg3[%swap3A_164, %swap3A_165, %swap3A_166], %swap3A_169 {strides = array<i32>} : memref<128x50x256xf32, #tpu.memory_space<vmem>>, vector<1x50x256xf32>,
    %slice3A_170 = vector.extract_strided_slice %dot_general3A_10 {offsets = [1288, 0], sizes = [50, 256], strides = [1, 1]} : vector<7168x256xf32> to vector<50x256xf32>
    %swap3A_171 = arith.constant 23 : index
    %swap3A_172 = arith.constant 0 : index
    %swap3A_173 = arith.constant 0 : index
    %swap3A_174 = vector.load %arg3[%swap3A_171, %swap3A_172, %swap3A_173] : memref<128x50x256xf32, #tpu.memory_space<vmem>>, vector<1x50x256xf32>
    %swap3A_175 = vector.shape_cast %swap3A_174 : vector<1x50x256xf32> to vector<50x256xf32>
    %swap3A_176 = vector.shape_cast %slice3A_170 : vector<50x256xf32> to vector<1x50x256xf32>
    tpu.vector_store %arg3[%swap3A_171, %swap3A_172, %swap3A_173], %swap3A_176 {strides = array<i32>} : memref<128x50x256xf32, #tpu.memory_space<vmem>>, vector<1x50x256xf32>,
    %slice3A_177 = vector.extract_strided_slice %dot_general3A_10 {offsets = [1344, 0], sizes = [50, 256], strides = [1, 1]} : vector<7168x256xf32> to vector<50x256xf32>
    %swap3A_178 = arith.constant 24 : index
    %swap3A_179 = arith.constant 0 : index
    %swap3A_180 = arith.constant 0 : index
    %swap3A_181 = vector.load %arg3[%swap3A_178, %swap3A_179, %swap3A_180] : memref<128x50x256xf32, #tpu.memory_space<vmem>>, vector<1x50x256xf32>
    %swap3A_182 = vector.shape_cast %swap3A_181 : vector<1x50x256xf32> to vector<50x256xf32>
    %swap3A_183 = vector.shape_cast %slice3A_177 : vector<50x256xf32> to vector<1x50x256xf32>
    tpu.vector_store %arg3[%swap3A_178, %swap3A_179, %swap3A_180], %swap3A_183 {strides = array<i32>} : memref<128x50x256xf32, #tpu.memory_space<vmem>>, vector<1x50x256xf32>,
    %slice3A_184 = vector.extract_strided_slice %dot_general3A_10 {offsets = [1400, 0], sizes = [50, 256], strides = [1, 1]} : vector<7168x256xf32> to vector<50x256xf32>
    %swap3A_185 = arith.constant 25 : index
    %swap3A_186 = arith.constant 0 : index
    %swap3A_187 = arith.constant 0 : index
    %swap3A_188 = vector.load %arg3[%swap3A_185, %swap3A_186, %swap3A_187] : memref<128x50x256xf32, #tpu.memory_space<vmem>>, vector<1x50x256xf32>
    %swap3A_189 = vector.shape_cast %swap3A_188 : vector<1x50x256xf32> to vector<50x256xf32>
    %swap3A_190 = vector.shape_cast %slice3A_184 : vector<50x256xf32> to vector<1x50x256xf32>
    tpu.vector_store %arg3[%swap3A_185, %swap3A_186, %swap3A_187], %swap3A_190 {strides = array<i32>} : memref<128x50x256xf32, #tpu.memory_space<vmem>>, vector<1x50x256xf32>,
    %slice3A_191 = vector.extract_strided_slice %dot_general3A_10 {offsets = [1456, 0], sizes = [50, 256], strides = [1, 1]} : vector<7168x256xf32> to vector<50x256xf32>
    %swap3A_192 = arith.constant 26 : index
    %swap3A_193 = arith.constant 0 : index
    %swap3A_194 = arith.constant 0 : index
    %swap3A_195 = vector.load %arg3[%swap3A_192, %swap3A_193, %swap3A_194] : memref<128x50x256xf32, #tpu.memory_space<vmem>>, vector<1x50x256xf32>
    %swap3A_196 = vector.shape_cast %swap3A_195 : vector<1x50x256xf32> to vector<50x256xf32>
    %swap3A_197 = vector.shape_cast %slice3A_191 : vector<50x256xf32> to vector<1x50x256xf32>
    tpu.vector_store %arg3[%swap3A_192, %swap3A_193, %swap3A_194], %swap3A_197 {strides = array<i32>} : memref<128x50x256xf32, #tpu.memory_space<vmem>>, vector<1x50x256xf32>,
    %slice3A_198 = vector.extract_strided_slice %dot_general3A_10 {offsets = [1512, 0], sizes = [50, 256], strides = [1, 1]} : vector<7168x256xf32> to vector<50x256xf32>
    %swap3A_199 = arith.constant 27 : index
    %swap3A_200 = arith.constant 0 : index
    %swap3A_201 = arith.constant 0 : index
    %swap3A_202 = vector.load %arg3[%swap3A_199, %swap3A_200, %swap3A_201] : memref<128x50x256xf32, #tpu.memory_space<vmem>>, vector<1x50x256xf32>
    %swap3A_203 = vector.shape_cast %swap3A_202 : vector<1x50x256xf32> to vector<50x256xf32>
    %swap3A_204 = vector.shape_cast %slice3A_198 : vector<50x256xf32> to vector<1x50x256xf32>
    tpu.vector_store %arg3[%swap3A_199, %swap3A_200, %swap3A_201], %swap3A_204 {strides = array<i32>} : memref<128x50x256xf32, #tpu.memory_space<vmem>>, vector<1x50x256xf32>,
    %slice3A_205 = vector.extract_strided_slice %dot_general3A_10 {offsets = [1568, 0], sizes = [50, 256], strides = [1, 1]} : vector<7168x256xf32> to vector<50x256xf32>
    %swap3A_206 = arith.constant 28 : index
    %swap3A_207 = arith.constant 0 : index
    %swap3A_208 = arith.constant 0 : index
    %swap3A_209 = vector.load %arg3[%swap3A_206, %swap3A_207, %swap3A_208] : memref<128x50x256xf32, #tpu.memory_space<vmem>>, vector<1x50x256xf32>
    %swap3A_210 = vector.shape_cast %swap3A_209 : vector<1x50x256xf32> to vector<50x256xf32>
    %swap3A_211 = vector.shape_cast %slice3A_205 : vector<50x256xf32> to vector<1x50x256xf32>
    tpu.vector_store %arg3[%swap3A_206, %swap3A_207, %swap3A_208], %swap3A_211 {strides = array<i32>} : memref<128x50x256xf32, #tpu.memory_space<vmem>>, vector<1x50x256xf32>,
    %slice3A_212 = vector.extract_strided_slice %dot_general3A_10 {offsets = [1624, 0], sizes = [50, 256], strides = [1, 1]} : vector<7168x256xf32> to vector<50x256xf32>
    %swap3A_213 = arith.constant 29 : index
    %swap3A_214 = arith.constant 0 : index
    %swap3A_215 = arith.constant 0 : index
    %swap3A_216 = vector.load %arg3[%swap3A_213, %swap3A_214, %swap3A_215] : memref<128x50x256xf32, #tpu.memory_space<vmem>>, vector<1x50x256xf32>
    %swap3A_217 = vector.shape_cast %swap3A_216 : vector<1x50x256xf32> to vector<50x256xf32>
    %swap3A_218 = vector.shape_cast %slice3A_212 : vector<50x256xf32> to vector<1x50x256xf32>
    tpu.vector_store %arg3[%swap3A_213, %swap3A_214, %swap3A_215], %swap3A_218 {strides = array<i32>} : memref<128x50x256xf32, #tpu.memory_space<vmem>>, vector<1x50x256xf32>,
    %slice3A_219 = vector.extract_strided_slice %dot_general3A_10 {offsets = [1680, 0], sizes = [50, 256], strides = [1, 1]} : vector<7168x256xf32> to vector<50x256xf32>
    %swap3A_220 = arith.constant 30 : index
    %swap3A_221 = arith.constant 0 : index
    %swap3A_222 = arith.constant 0 : index
    %swap3A_223 = vector.load %arg3[%swap3A_220, %swap3A_221, %swap3A_222] : memref<128x50x256xf32, #tpu.memory_space<vmem>>, vector<1x50x256xf32>
    %swap3A_224 = vector.shape_cast %swap3A_223 : vector<1x50x256xf32> to vector<50x256xf32>
    %swap3A_225 = vector.shape_cast %slice3A_219 : vector<50x256xf32> to vector<1x50x256xf32>
    tpu.vector_store %arg3[%swap3A_220, %swap3A_221, %swap3A_222], %swap3A_225 {strides = array<i32>} : memref<128x50x256xf32, #tpu.memory_space<vmem>>, vector<1x50x256xf32>,
    %slice3A_226 = vector.extract_strided_slice %dot_general3A_10 {offsets = [1736, 0], sizes = [50, 256], strides = [1, 1]} : vector<7168x256xf32> to vector<50x256xf32>
    %swap3A_227 = arith.constant 31 : index
    %swap3A_228 = arith.constant 0 : index
    %swap3A_229 = arith.constant 0 : index
    %swap3A_230 = vector.load %arg3[%swap3A_227, %swap3A_228, %swap3A_229] : memref<128x50x256xf32, #tpu.memory_space<vmem>>, vector<1x50x256xf32>
    %swap3A_231 = vector.shape_cast %swap3A_230 : vector<1x50x256xf32> to vector<50x256xf32>
    %swap3A_232 = vector.shape_cast %slice3A_226 : vector<50x256xf32> to vector<1x50x256xf32>
    tpu.vector_store %arg3[%swap3A_227, %swap3A_228, %swap3A_229], %swap3A_232 {strides = array<i32>} : memref<128x50x256xf32, #tpu.memory_space<vmem>>, vector<1x50x256xf32>,
    %slice3A_233 = vector.extract_strided_slice %dot_general3A_10 {offsets = [1792, 0], sizes = [50, 256], strides = [1, 1]} : vector<7168x256xf32> to vector<50x256xf32>
    %swap3A_234 = arith.constant 32 : index
    %swap3A_235 = arith.constant 0 : index
    %swap3A_236 = arith.constant 0 : index
    %swap3A_237 = vector.load %arg3[%swap3A_234, %swap3A_235, %swap3A_236] : memref<128x50x256xf32, #tpu.memory_space<vmem>>, vector<1x50x256xf32>
    %swap3A_238 = vector.shape_cast %swap3A_237 : vector<1x50x256xf32> to vector<50x256xf32>
    %swap3A_239 = vector.shape_cast %slice3A_233 : vector<50x256xf32> to vector<1x50x256xf32>
    tpu.vector_store %arg3[%swap3A_234, %swap3A_235, %swap3A_236], %swap3A_239 {strides = array<i32>} : memref<128x50x256xf32, #tpu.memory_space<vmem>>, vector<1x50x256xf32>,
    %slice3A_240 = vector.extract_strided_slice %dot_general3A_10 {offsets = [1848, 0], sizes = [50, 256], strides = [1, 1]} : vector<7168x256xf32> to vector<50x256xf32>
    %swap3A_241 = arith.constant 33 : index
    %swap3A_242 = arith.constant 0 : index
    %swap3A_243 = arith.constant 0 : index
    %swap3A_244 = vector.load %arg3[%swap3A_241, %swap3A_242, %swap3A_243] : memref<128x50x256xf32, #tpu.memory_space<vmem>>, vector<1x50x256xf32>
    %swap3A_245 = vector.shape_cast %swap3A_244 : vector<1x50x256xf32> to vector<50x256xf32>
    %swap3A_246 = vector.shape_cast %slice3A_240 : vector<50x256xf32> to vector<1x50x256xf32>
    tpu.vector_store %arg3[%swap3A_241, %swap3A_242, %swap3A_243], %swap3A_246 {strides = array<i32>} : memref<128x50x256xf32, #tpu.memory_space<vmem>>, vector<1x50x256xf32>,
    %slice3A_247 = vector.extract_strided_slice %dot_general3A_10 {offsets = [1904, 0], sizes = [50, 256], strides = [1, 1]} : vector<7168x256xf32> to vector<50x256xf32>
    %swap3A_248 = arith.constant 34 : index
    %swap3A_249 = arith.constant 0 : index
    %swap3A_250 = arith.constant 0 : index
    %swap3A_251 = vector.load %arg3[%swap3A_248, %swap3A_249, %swap3A_250] : memref<128x50x256xf32, #tpu.memory_space<vmem>>, vector<1x50x256xf32>
    %swap3A_252 = vector.shape_cast %swap3A_251 : vector<1x50x256xf32> to vector<50x256xf32>
    %swap3A_253 = vector.shape_cast %slice3A_247 : vector<50x256xf32> to vector<1x50x256xf32>
    tpu.vector_store %arg3[%swap3A_248, %swap3A_249, %swap3A_250], %swap3A_253 {strides = array<i32>} : memref<128x50x256xf32, #tpu.memory_space<vmem>>, vector<1x50x256xf32>,
    %slice3A_254 = vector.extract_strided_slice %dot_general3A_10 {offsets = [1960, 0], sizes = [50, 256], strides = [1, 1]} : vector<7168x256xf32> to vector<50x256xf32>
    %swap3A_255 = arith.constant 35 : index
    %swap3A_256 = arith.constant 0 : index
    %swap3A_257 = arith.constant 0 : index
    %swap3A_258 = vector.load %arg3[%swap3A_255, %swap3A_256, %swap3A_257] : memref<128x50x256xf32, #tpu.memory_space<vmem>>, vector<1x50x256xf32>
    %swap3A_259 = vector.shape_cast %swap3A_258 : vector<1x50x256xf32> to vector<50x256xf32>
    %swap3A_260 = vector.shape_cast %slice3A_254 : vector<50x256xf32> to vector<1x50x256xf32>
    tpu.vector_store %arg3[%swap3A_255, %swap3A_256, %swap3A_257], %swap3A_260 {strides = array<i32>} : memref<128x50x256xf32, #tpu.memory_space<vmem>>, vector<1x50x256xf32>,
    %slice3A_261 = vector.extract_strided_slice %dot_general3A_10 {offsets = [2016, 0], sizes = [50, 256], strides = [1, 1]} : vector<7168x256xf32> to vector<50x256xf32>
    %swap3A_262 = arith.constant 36 : index
    %swap3A_263 = arith.constant 0 : index
    %swap3A_264 = arith.constant 0 : index
    %swap3A_265 = vector.load %arg3[%swap3A_262, %swap3A_263, %swap3A_264] : memref<128x50x256xf32, #tpu.memory_space<vmem>>, vector<1x50x256xf32>
    %swap3A_266 = vector.shape_cast %swap3A_265 : vector<1x50x256xf32> to vector<50x256xf32>
    %swap3A_267 = vector.shape_cast %slice3A_261 : vector<50x256xf32> to vector<1x50x256xf32>
    tpu.vector_store %arg3[%swap3A_262, %swap3A_263, %swap3A_264], %swap3A_267 {strides = array<i32>} : memref<128x50x256xf32, #tpu.memory_space<vmem>>, vector<1x50x256xf32>,
    %slice3A_268 = vector.extract_strided_slice %dot_general3A_10 {offsets = [2072, 0], sizes = [50, 256], strides = [1, 1]} : vector<7168x256xf32> to vector<50x256xf32>
    %swap3A_269 = arith.constant 37 : index
    %swap3A_270 = arith.constant 0 : index
    %swap3A_271 = arith.constant 0 : index
    %swap3A_272 = vector.load %arg3[%swap3A_269, %swap3A_270, %swap3A_271] : memref<128x50x256xf32, #tpu.memory_space<vmem>>, vector<1x50x256xf32>
    %swap3A_273 = vector.shape_cast %swap3A_272 : vector<1x50x256xf32> to vector<50x256xf32>
    %swap3A_274 = vector.shape_cast %slice3A_268 : vector<50x256xf32> to vector<1x50x256xf32>
    tpu.vector_store %arg3[%swap3A_269, %swap3A_270, %swap3A_271], %swap3A_274 {strides = array<i32>} : memref<128x50x256xf32, #tpu.memory_space<vmem>>, vector<1x50x256xf32>,
    %slice3A_275 = vector.extract_strided_slice %dot_general3A_10 {offsets = [2128, 0], sizes = [50, 256], strides = [1, 1]} : vector<7168x256xf32> to vector<50x256xf32>
    %swap3A_276 = arith.constant 38 : index
    %swap3A_277 = arith.constant 0 : index
    %swap3A_278 = arith.constant 0 : index
    %swap3A_279 = vector.load %arg3[%swap3A_276, %swap3A_277, %swap3A_278] : memref<128x50x256xf32, #tpu.memory_space<vmem>>, vector<1x50x256xf32>
    %swap3A_280 = vector.shape_cast %swap3A_279 : vector<1x50x256xf32> to vector<50x256xf32>
    %swap3A_281 = vector.shape_cast %slice3A_275 : vector<50x256xf32> to vector<1x50x256xf32>
    tpu.vector_store %arg3[%swap3A_276, %swap3A_277, %swap3A_278], %swap3A_281 {strides = array<i32>} : memref<128x50x256xf32, #tpu.memory_space<vmem>>, vector<1x50x256xf32>,
    %slice3A_282 = vector.extract_strided_slice %dot_general3A_10 {offsets = [2184, 0], sizes = [50, 256], strides = [1, 1]} : vector<7168x256xf32> to vector<50x256xf32>
    %swap3A_283 = arith.constant 39 : index
    %swap3A_284 = arith.constant 0 : index
    %swap3A_285 = arith.constant 0 : index
    %swap3A_286 = vector.load %arg3[%swap3A_283, %swap3A_284, %swap3A_285] : memref<128x50x256xf32, #tpu.memory_space<vmem>>, vector<1x50x256xf32>
    %swap3A_287 = vector.shape_cast %swap3A_286 : vector<1x50x256xf32> to vector<50x256xf32>
    %swap3A_288 = vector.shape_cast %slice3A_282 : vector<50x256xf32> to vector<1x50x256xf32>
    tpu.vector_store %arg3[%swap3A_283, %swap3A_284, %swap3A_285], %swap3A_288 {strides = array<i32>} : memref<128x50x256xf32, #tpu.memory_space<vmem>>, vector<1x50x256xf32>,
    %slice3A_289 = vector.extract_strided_slice %dot_general3A_10 {offsets = [2240, 0], sizes = [50, 256], strides = [1, 1]} : vector<7168x256xf32> to vector<50x256xf32>
    %swap3A_290 = arith.constant 40 : index
    %swap3A_291 = arith.constant 0 : index
    %swap3A_292 = arith.constant 0 : index
    %swap3A_293 = vector.load %arg3[%swap3A_290, %swap3A_291, %swap3A_292] : memref<128x50x256xf32, #tpu.memory_space<vmem>>, vector<1x50x256xf32>
    %swap3A_294 = vector.shape_cast %swap3A_293 : vector<1x50x256xf32> to vector<50x256xf32>
    %swap3A_295 = vector.shape_cast %slice3A_289 : vector<50x256xf32> to vector<1x50x256xf32>
    tpu.vector_store %arg3[%swap3A_290, %swap3A_291, %swap3A_292], %swap3A_295 {strides = array<i32>} : memref<128x50x256xf32, #tpu.memory_space<vmem>>, vector<1x50x256xf32>,
    %slice3A_296 = vector.extract_strided_slice %dot_general3A_10 {offsets = [2296, 0], sizes = [50, 256], strides = [1, 1]} : vector<7168x256xf32> to vector<50x256xf32>
    %swap3A_297 = arith.constant 41 : index
    %swap3A_298 = arith.constant 0 : index
    %swap3A_299 = arith.constant 0 : index
    %swap3A_300 = vector.load %arg3[%swap3A_297, %swap3A_298, %swap3A_299] : memref<128x50x256xf32, #tpu.memory_space<vmem>>, vector<1x50x256xf32>
    %swap3A_301 = vector.shape_cast %swap3A_300 : vector<1x50x256xf32> to vector<50x256xf32>
    %swap3A_302 = vector.shape_cast %slice3A_296 : vector<50x256xf32> to vector<1x50x256xf32>
    tpu.vector_store %arg3[%swap3A_297, %swap3A_298, %swap3A_299], %swap3A_302 {strides = array<i32>} : memref<128x50x256xf32, #tpu.memory_space<vmem>>, vector<1x50x256xf32>,
    %slice3A_303 = vector.extract_strided_slice %dot_general3A_10 {offsets = [2352, 0], sizes = [50, 256], strides = [1, 1]} : vector<7168x256xf32> to vector<50x256xf32>
    %swap3A_304 = arith.constant 42 : index
    %swap3A_305 = arith.constant 0 : index
    %swap3A_306 = arith.constant 0 : index
    %swap3A_307 = vector.load %arg3[%swap3A_304, %swap3A_305, %swap3A_306] : memref<128x50x256xf32, #tpu.memory_space<vmem>>, vector<1x50x256xf32>
    %swap3A_308 = vector.shape_cast %swap3A_307 : vector<1x50x256xf32> to vector<50x256xf32>
    %swap3A_309 = vector.shape_cast %slice3A_303 : vector<50x256xf32> to vector<1x50x256xf32>
    tpu.vector_store %arg3[%swap3A_304, %swap3A_305, %swap3A_306], %swap3A_309 {strides = array<i32>} : memref<128x50x256xf32, #tpu.memory_space<vmem>>, vector<1x50x256xf32>,
    %slice3A_310 = vector.extract_strided_slice %dot_general3A_10 {offsets = [2408, 0], sizes = [50, 256], strides = [1, 1]} : vector<7168x256xf32> to vector<50x256xf32>
    %swap3A_311 = arith.constant 43 : index
    %swap3A_312 = arith.constant 0 : index
    %swap3A_313 = arith.constant 0 : index
    %swap3A_314 = vector.load %arg3[%swap3A_311, %swap3A_312, %swap3A_313] : memref<128x50x256xf32, #tpu.memory_space<vmem>>, vector<1x50x256xf32>
    %swap3A_315 = vector.shape_cast %swap3A_314 : vector<1x50x256xf32> to vector<50x256xf32>
    %swap3A_316 = vector.shape_cast %slice3A_310 : vector<50x256xf32> to vector<1x50x256xf32>
    tpu.vector_store %arg3[%swap3A_311, %swap3A_312, %swap3A_313], %swap3A_316 {strides = array<i32>} : memref<128x50x256xf32, #tpu.memory_space<vmem>>, vector<1x50x256xf32>,
    %slice3A_317 = vector.extract_strided_slice %dot_general3A_10 {offsets = [2464, 0], sizes = [50, 256], strides = [1, 1]} : vector<7168x256xf32> to vector<50x256xf32>
    %swap3A_318 = arith.constant 44 : index
    %swap3A_319 = arith.constant 0 : index
    %swap3A_320 = arith.constant 0 : index
    %swap3A_321 = vector.load %arg3[%swap3A_318, %swap3A_319, %swap3A_320] : memref<128x50x256xf32, #tpu.memory_space<vmem>>, vector<1x50x256xf32>
    %swap3A_322 = vector.shape_cast %swap3A_321 : vector<1x50x256xf32> to vector<50x256xf32>
    %swap3A_323 = vector.shape_cast %slice3A_317 : vector<50x256xf32> to vector<1x50x256xf32>
    tpu.vector_store %arg3[%swap3A_318, %swap3A_319, %swap3A_320], %swap3A_323 {strides = array<i32>} : memref<128x50x256xf32, #tpu.memory_space<vmem>>, vector<1x50x256xf32>,
    %slice3A_324 = vector.extract_strided_slice %dot_general3A_10 {offsets = [2520, 0], sizes = [50, 256], strides = [1, 1]} : vector<7168x256xf32> to vector<50x256xf32>
    %swap3A_325 = arith.constant 45 : index
    %swap3A_326 = arith.constant 0 : index
    %swap3A_327 = arith.constant 0 : index
    %swap3A_328 = vector.load %arg3[%swap3A_325, %swap3A_326, %swap3A_327] : memref<128x50x256xf32, #tpu.memory_space<vmem>>, vector<1x50x256xf32>
    %swap3A_329 = vector.shape_cast %swap3A_328 : vector<1x50x256xf32> to vector<50x256xf32>
    %swap3A_330 = vector.shape_cast %slice3A_324 : vector<50x256xf32> to vector<1x50x256xf32>
    tpu.vector_store %arg3[%swap3A_325, %swap3A_326, %swap3A_327], %swap3A_330 {strides = array<i32>} : memref<128x50x256xf32, #tpu.memory_space<vmem>>, vector<1x50x256xf32>,
    %slice3A_331 = vector.extract_strided_slice %dot_general3A_10 {offsets = [2576, 0], sizes = [50, 256], strides = [1, 1]} : vector<7168x256xf32> to vector<50x256xf32>
    %swap3A_332 = arith.constant 46 : index
    %swap3A_333 = arith.constant 0 : index
    %swap3A_334 = arith.constant 0 : index
    %swap3A_335 = vector.load %arg3[%swap3A_332, %swap3A_333, %swap3A_334] : memref<128x50x256xf32, #tpu.memory_space<vmem>>, vector<1x50x256xf32>
    %swap3A_336 = vector.shape_cast %swap3A_335 : vector<1x50x256xf32> to vector<50x256xf32>
    %swap3A_337 = vector.shape_cast %slice3A_331 : vector<50x256xf32> to vector<1x50x256xf32>
    tpu.vector_store %arg3[%swap3A_332, %swap3A_333, %swap3A_334], %swap3A_337 {strides = array<i32>} : memref<128x50x256xf32, #tpu.memory_space<vmem>>, vector<1x50x256xf32>,
    %slice3A_338 = vector.extract_strided_slice %dot_general3A_10 {offsets = [2632, 0], sizes = [50, 256], strides = [1, 1]} : vector<7168x256xf32> to vector<50x256xf32>
    %swap3A_339 = arith.constant 47 : index
    %swap3A_340 = arith.constant 0 : index
    %swap3A_341 = arith.constant 0 : index
    %swap3A_342 = vector.load %arg3[%swap3A_339, %swap3A_340, %swap3A_341] : memref<128x50x256xf32, #tpu.memory_space<vmem>>, vector<1x50x256xf32>
    %swap3A_343 = vector.shape_cast %swap3A_342 : vector<1x50x256xf32> to vector<50x256xf32>
    %swap3A_344 = vector.shape_cast %slice3A_338 : vector<50x256xf32> to vector<1x50x256xf32>
    tpu.vector_store %arg3[%swap3A_339, %swap3A_340, %swap3A_341], %swap3A_344 {strides = array<i32>} : memref<128x50x256xf32, #tpu.memory_space<vmem>>, vector<1x50x256xf32>,
    %slice3A_345 = vector.extract_strided_slice %dot_general3A_10 {offsets = [2688, 0], sizes = [50, 256], strides = [1, 1]} : vector<7168x256xf32> to vector<50x256xf32>
    %swap3A_346 = arith.constant 48 : index
    %swap3A_347 = arith.constant 0 : index
    %swap3A_348 = arith.constant 0 : index
    %swap3A_349 = vector.load %arg3[%swap3A_346, %swap3A_347, %swap3A_348] : memref<128x50x256xf32, #tpu.memory_space<vmem>>, vector<1x50x256xf32>
    %swap3A_350 = vector.shape_cast %swap3A_349 : vector<1x50x256xf32> to vector<50x256xf32>
    %swap3A_351 = vector.shape_cast %slice3A_345 : vector<50x256xf32> to vector<1x50x256xf32>
    tpu.vector_store %arg3[%swap3A_346, %swap3A_347, %swap3A_348], %swap3A_351 {strides = array<i32>} : memref<128x50x256xf32, #tpu.memory_space<vmem>>, vector<1x50x256xf32>,
    %slice3A_352 = vector.extract_strided_slice %dot_general3A_10 {offsets = [2744, 0], sizes = [50, 256], strides = [1, 1]} : vector<7168x256xf32> to vector<50x256xf32>
    %swap3A_353 = arith.constant 49 : index
    %swap3A_354 = arith.constant 0 : index
    %swap3A_355 = arith.constant 0 : index
    %swap3A_356 = vector.load %arg3[%swap3A_353, %swap3A_354, %swap3A_355] : memref<128x50x256xf32, #tpu.memory_space<vmem>>, vector<1x50x256xf32>
    %swap3A_357 = vector.shape_cast %swap3A_356 : vector<1x50x256xf32> to vector<50x256xf32>
    %swap3A_358 = vector.shape_cast %slice3A_352 : vector<50x256xf32> to vector<1x50x256xf32>
    tpu.vector_store %arg3[%swap3A_353, %swap3A_354, %swap3A_355], %swap3A_358 {strides = array<i32>} : memref<128x50x256xf32, #tpu.memory_space<vmem>>, vector<1x50x256xf32>,
    %slice3A_359 = vector.extract_strided_slice %dot_general3A_10 {offsets = [2800, 0], sizes = [50, 256], strides = [1, 1]} : vector<7168x256xf32> to vector<50x256xf32>
    %swap3A_360 = arith.constant 50 : index
    %swap3A_361 = arith.constant 0 : index
    %swap3A_362 = arith.constant 0 : index
    %swap3A_363 = vector.load %arg3[%swap3A_360, %swap3A_361, %swap3A_362] : memref<128x50x256xf32, #tpu.memory_space<vmem>>, vector<1x50x256xf32>
    %swap3A_364 = vector.shape_cast %swap3A_363 : vector<1x50x256xf32> to vector<50x256xf32>
    %swap3A_365 = vector.shape_cast %slice3A_359 : vector<50x256xf32> to vector<1x50x256xf32>
    tpu.vector_store %arg3[%swap3A_360, %swap3A_361, %swap3A_362], %swap3A_365 {strides = array<i32>} : memref<128x50x256xf32, #tpu.memory_space<vmem>>, vector<1x50x256xf32>,
    %slice3A_366 = vector.extract_strided_slice %dot_general3A_10 {offsets = [2856, 0], sizes = [50, 256], strides = [1, 1]} : vector<7168x256xf32> to vector<50x256xf32>
    %swap3A_367 = arith.constant 51 : index
    %swap3A_368 = arith.constant 0 : index
    %swap3A_369 = arith.constant 0 : index
    %swap3A_370 = vector.load %arg3[%swap3A_367, %swap3A_368, %swap3A_369] : memref<128x50x256xf32, #tpu.memory_space<vmem>>, vector<1x50x256xf32>
    %swap3A_371 = vector.shape_cast %swap3A_370 : vector<1x50x256xf32> to vector<50x256xf32>
    %swap3A_372 = vector.shape_cast %slice3A_366 : vector<50x256xf32> to vector<1x50x256xf32>
    tpu.vector_store %arg3[%swap3A_367, %swap3A_368, %swap3A_369], %swap3A_372 {strides = array<i32>} : memref<128x50x256xf32, #tpu.memory_space<vmem>>, vector<1x50x256xf32>,
    %slice3A_373 = vector.extract_strided_slice %dot_general3A_10 {offsets = [2912, 0], sizes = [50, 256], strides = [1, 1]} : vector<7168x256xf32> to vector<50x256xf32>
    %swap3A_374 = arith.constant 52 : index
    %swap3A_375 = arith.constant 0 : index
    %swap3A_376 = arith.constant 0 : index
    %swap3A_377 = vector.load %arg3[%swap3A_374, %swap3A_375, %swap3A_376] : memref<128x50x256xf32, #tpu.memory_space<vmem>>, vector<1x50x256xf32>
    %swap3A_378 = vector.shape_cast %swap3A_377 : vector<1x50x256xf32> to vector<50x256xf32>
    %swap3A_379 = vector.shape_cast %slice3A_373 : vector<50x256xf32> to vector<1x50x256xf32>
    tpu.vector_store %arg3[%swap3A_374, %swap3A_375, %swap3A_376], %swap3A_379 {strides = array<i32>} : memref<128x50x256xf32, #tpu.memory_space<vmem>>, vector<1x50x256xf32>,
    %slice3A_380 = vector.extract_strided_slice %dot_general3A_10 {offsets = [2968, 0], sizes = [50, 256], strides = [1, 1]} : vector<7168x256xf32> to vector<50x256xf32>
    %swap3A_381 = arith.constant 53 : index
    %swap3A_382 = arith.constant 0 : index
    %swap3A_383 = arith.constant 0 : index
    %swap3A_384 = vector.load %arg3[%swap3A_381, %swap3A_382, %swap3A_383] : memref<128x50x256xf32, #tpu.memory_space<vmem>>, vector<1x50x256xf32>
    %swap3A_385 = vector.shape_cast %swap3A_384 : vector<1x50x256xf32> to vector<50x256xf32>
    %swap3A_386 = vector.shape_cast %slice3A_380 : vector<50x256xf32> to vector<1x50x256xf32>
    tpu.vector_store %arg3[%swap3A_381, %swap3A_382, %swap3A_383], %swap3A_386 {strides = array<i32>} : memref<128x50x256xf32, #tpu.memory_space<vmem>>, vector<1x50x256xf32>,
    %slice3A_387 = vector.extract_strided_slice %dot_general3A_10 {offsets = [3024, 0], sizes = [50, 256], strides = [1, 1]} : vector<7168x256xf32> to vector<50x256xf32>
    %swap3A_388 = arith.constant 54 : index
    %swap3A_389 = arith.constant 0 : index
    %swap3A_390 = arith.constant 0 : index
    %swap3A_391 = vector.load %arg3[%swap3A_388, %swap3A_389, %swap3A_390] : memref<128x50x256xf32, #tpu.memory_space<vmem>>, vector<1x50x256xf32>
    %swap3A_392 = vector.shape_cast %swap3A_391 : vector<1x50x256xf32> to vector<50x256xf32>
    %swap3A_393 = vector.shape_cast %slice3A_387 : vector<50x256xf32> to vector<1x50x256xf32>
    tpu.vector_store %arg3[%swap3A_388, %swap3A_389, %swap3A_390], %swap3A_393 {strides = array<i32>} : memref<128x50x256xf32, #tpu.memory_space<vmem>>, vector<1x50x256xf32>,
    %slice3A_394 = vector.extract_strided_slice %dot_general3A_10 {offsets = [3080, 0], sizes = [50, 256], strides = [1, 1]} : vector<7168x256xf32> to vector<50x256xf32>
    %swap3A_395 = arith.constant 55 : index
    %swap3A_396 = arith.constant 0 : index
    %swap3A_397 = arith.constant 0 : index
    %swap3A_398 = vector.load %arg3[%swap3A_395, %swap3A_396, %swap3A_397] : memref<128x50x256xf32, #tpu.memory_space<vmem>>, vector<1x50x256xf32>
    %swap3A_399 = vector.shape_cast %swap3A_398 : vector<1x50x256xf32> to vector<50x256xf32>
    %swap3A_400 = vector.shape_cast %slice3A_394 : vector<50x256xf32> to vector<1x50x256xf32>
    tpu.vector_store %arg3[%swap3A_395, %swap3A_396, %swap3A_397], %swap3A_400 {strides = array<i32>} : memref<128x50x256xf32, #tpu.memory_space<vmem>>, vector<1x50x256xf32>,
    %slice3A_401 = vector.extract_strided_slice %dot_general3A_10 {offsets = [3136, 0], sizes = [50, 256], strides = [1, 1]} : vector<7168x256xf32> to vector<50x256xf32>
    %swap3A_402 = arith.constant 56 : index
    %swap3A_403 = arith.constant 0 : index
    %swap3A_404 = arith.constant 0 : index
    %swap3A_405 = vector.load %arg3[%swap3A_402, %swap3A_403, %swap3A_404] : memref<128x50x256xf32, #tpu.memory_space<vmem>>, vector<1x50x256xf32>
    %swap3A_406 = vector.shape_cast %swap3A_405 : vector<1x50x256xf32> to vector<50x256xf32>
    %swap3A_407 = vector.shape_cast %slice3A_401 : vector<50x256xf32> to vector<1x50x256xf32>
    tpu.vector_store %arg3[%swap3A_402, %swap3A_403, %swap3A_404], %swap3A_407 {strides = array<i32>} : memref<128x50x256xf32, #tpu.memory_space<vmem>>, vector<1x50x256xf32>,
    %slice3A_408 = vector.extract_strided_slice %dot_general3A_10 {offsets = [3192, 0], sizes = [50, 256], strides = [1, 1]} : vector<7168x256xf32> to vector<50x256xf32>
    %swap3A_409 = arith.constant 57 : index
    %swap3A_410 = arith.constant 0 : index
    %swap3A_411 = arith.constant 0 : index
    %swap3A_412 = vector.load %arg3[%swap3A_409, %swap3A_410, %swap3A_411] : memref<128x50x256xf32, #tpu.memory_space<vmem>>, vector<1x50x256xf32>
    %swap3A_413 = vector.shape_cast %swap3A_412 : vector<1x50x256xf32> to vector<50x256xf32>
    %swap3A_414 = vector.shape_cast %slice3A_408 : vector<50x256xf32> to vector<1x50x256xf32>
    tpu.vector_store %arg3[%swap3A_409, %swap3A_410, %swap3A_411], %swap3A_414 {strides = array<i32>} : memref<128x50x256xf32, #tpu.memory_space<vmem>>, vector<1x50x256xf32>,
    %slice3A_415 = vector.extract_strided_slice %dot_general3A_10 {offsets = [3248, 0], sizes = [50, 256], strides = [1, 1]} : vector<7168x256xf32> to vector<50x256xf32>
    %swap3A_416 = arith.constant 58 : index
    %swap3A_417 = arith.constant 0 : index
    %swap3A_418 = arith.constant 0 : index
    %swap3A_419 = vector.load %arg3[%swap3A_416, %swap3A_417, %swap3A_418] : memref<128x50x256xf32, #tpu.memory_space<vmem>>, vector<1x50x256xf32>
    %swap3A_420 = vector.shape_cast %swap3A_419 : vector<1x50x256xf32> to vector<50x256xf32>
    %swap3A_421 = vector.shape_cast %slice3A_415 : vector<50x256xf32> to vector<1x50x256xf32>
    tpu.vector_store %arg3[%swap3A_416, %swap3A_417, %swap3A_418], %swap3A_421 {strides = array<i32>} : memref<128x50x256xf32, #tpu.memory_space<vmem>>, vector<1x50x256xf32>,
    %slice3A_422 = vector.extract_strided_slice %dot_general3A_10 {offsets = [3304, 0], sizes = [50, 256], strides = [1, 1]} : vector<7168x256xf32> to vector<50x256xf32>
    %swap3A_423 = arith.constant 59 : index
    %swap3A_424 = arith.constant 0 : index
    %swap3A_425 = arith.constant 0 : index
    %swap3A_426 = vector.load %arg3[%swap3A_423, %swap3A_424, %swap3A_425] : memref<128x50x256xf32, #tpu.memory_space<vmem>>, vector<1x50x256xf32>
    %swap3A_427 = vector.shape_cast %swap3A_426 : vector<1x50x256xf32> to vector<50x256xf32>
    %swap3A_428 = vector.shape_cast %slice3A_422 : vector<50x256xf32> to vector<1x50x256xf32>
    tpu.vector_store %arg3[%swap3A_423, %swap3A_424, %swap3A_425], %swap3A_428 {strides = array<i32>} : memref<128x50x256xf32, #tpu.memory_space<vmem>>, vector<1x50x256xf32>,
    %slice3A_429 = vector.extract_strided_slice %dot_general3A_10 {offsets = [3360, 0], sizes = [50, 256], strides = [1, 1]} : vector<7168x256xf32> to vector<50x256xf32>
    %swap3A_430 = arith.constant 60 : index
    %swap3A_431 = arith.constant 0 : index
    %swap3A_432 = arith.constant 0 : index
    %swap3A_433 = vector.load %arg3[%swap3A_430, %swap3A_431, %swap3A_432] : memref<128x50x256xf32, #tpu.memory_space<vmem>>, vector<1x50x256xf32>
    %swap3A_434 = vector.shape_cast %swap3A_433 : vector<1x50x256xf32> to vector<50x256xf32>
    %swap3A_435 = vector.shape_cast %slice3A_429 : vector<50x256xf32> to vector<1x50x256xf32>
    tpu.vector_store %arg3[%swap3A_430, %swap3A_431, %swap3A_432], %swap3A_435 {strides = array<i32>} : memref<128x50x256xf32, #tpu.memory_space<vmem>>, vector<1x50x256xf32>,
    %slice3A_436 = vector.extract_strided_slice %dot_general3A_10 {offsets = [3416, 0], sizes = [50, 256], strides = [1, 1]} : vector<7168x256xf32> to vector<50x256xf32>
    %swap3A_437 = arith.constant 61 : index
    %swap3A_438 = arith.constant 0 : index
    %swap3A_439 = arith.constant 0 : index
    %swap3A_440 = vector.load %arg3[%swap3A_437, %swap3A_438, %swap3A_439] : memref<128x50x256xf32, #tpu.memory_space<vmem>>, vector<1x50x256xf32>
    %swap3A_441 = vector.shape_cast %swap3A_440 : vector<1x50x256xf32> to vector<50x256xf32>
    %swap3A_442 = vector.shape_cast %slice3A_436 : vector<50x256xf32> to vector<1x50x256xf32>
    tpu.vector_store %arg3[%swap3A_437, %swap3A_438, %swap3A_439], %swap3A_442 {strides = array<i32>} : memref<128x50x256xf32, #tpu.memory_space<vmem>>, vector<1x50x256xf32>,
    %slice3A_443 = vector.extract_strided_slice %dot_general3A_10 {offsets = [3472, 0], sizes = [50, 256], strides = [1, 1]} : vector<7168x256xf32> to vector<50x256xf32>
    %swap3A_444 = arith.constant 62 : index
    %swap3A_445 = arith.constant 0 : index
    %swap3A_446 = arith.constant 0 : index
    %swap3A_447 = vector.load %arg3[%swap3A_444, %swap3A_445, %swap3A_446] : memref<128x50x256xf32, #tpu.memory_space<vmem>>, vector<1x50x256xf32>
    %swap3A_448 = vector.shape_cast %swap3A_447 : vector<1x50x256xf32> to vector<50x256xf32>
    %swap3A_449 = vector.shape_cast %slice3A_443 : vector<50x256xf32> to vector<1x50x256xf32>
    tpu.vector_store %arg3[%swap3A_444, %swap3A_445, %swap3A_446], %swap3A_449 {strides = array<i32>} : memref<128x50x256xf32, #tpu.memory_space<vmem>>, vector<1x50x256xf32>,
    %slice3A_450 = vector.extract_strided_slice %dot_general3A_10 {offsets = [3528, 0], sizes = [50, 256], strides = [1, 1]} : vector<7168x256xf32> to vector<50x256xf32>
    %swap3A_451 = arith.constant 63 : index
    %swap3A_452 = arith.constant 0 : index
    %swap3A_453 = arith.constant 0 : index
    %swap3A_454 = vector.load %arg3[%swap3A_451, %swap3A_452, %swap3A_453] : memref<128x50x256xf32, #tpu.memory_space<vmem>>, vector<1x50x256xf32>
    %swap3A_455 = vector.shape_cast %swap3A_454 : vector<1x50x256xf32> to vector<50x256xf32>
    %swap3A_456 = vector.shape_cast %slice3A_450 : vector<50x256xf32> to vector<1x50x256xf32>
    tpu.vector_store %arg3[%swap3A_451, %swap3A_452, %swap3A_453], %swap3A_456 {strides = array<i32>} : memref<128x50x256xf32, #tpu.memory_space<vmem>>, vector<1x50x256xf32>,
    %slice3A_457 = vector.extract_strided_slice %dot_general3A_10 {offsets = [3584, 0], sizes = [50, 256], strides = [1, 1]} : vector<7168x256xf32> to vector<50x256xf32>
    %swap3A_458 = arith.constant 64 : index
    %swap3A_459 = arith.constant 0 : index
    %swap3A_460 = arith.constant 0 : index
    %swap3A_461 = vector.load %arg3[%swap3A_458, %swap3A_459, %swap3A_460] : memref<128x50x256xf32, #tpu.memory_space<vmem>>, vector<1x50x256xf32>
    %swap3A_462 = vector.shape_cast %swap3A_461 : vector<1x50x256xf32> to vector<50x256xf32>
    %swap3A_463 = vector.shape_cast %slice3A_457 : vector<50x256xf32> to vector<1x50x256xf32>
    tpu.vector_store %arg3[%swap3A_458, %swap3A_459, %swap3A_460], %swap3A_463 {strides = array<i32>} : memref<128x50x256xf32, #tpu.memory_space<vmem>>, vector<1x50x256xf32>,
    %slice3A_464 = vector.extract_strided_slice %dot_general3A_10 {offsets = [3640, 0], sizes = [50, 256], strides = [1, 1]} : vector<7168x256xf32> to vector<50x256xf32>
    %swap3A_465 = arith.constant 65 : index
    %swap3A_466 = arith.constant 0 : index
    %swap3A_467 = arith.constant 0 : index
    %swap3A_468 = vector.load %arg3[%swap3A_465, %swap3A_466, %swap3A_467] : memref<128x50x256xf32, #tpu.memory_space<vmem>>, vector<1x50x256xf32>
    %swap3A_469 = vector.shape_cast %swap3A_468 : vector<1x50x256xf32> to vector<50x256xf32>
    %swap3A_470 = vector.shape_cast %slice3A_464 : vector<50x256xf32> to vector<1x50x256xf32>
    tpu.vector_store %arg3[%swap3A_465, %swap3A_466, %swap3A_467], %swap3A_470 {strides = array<i32>} : memref<128x50x256xf32, #tpu.memory_space<vmem>>, vector<1x50x256xf32>,
    %slice3A_471 = vector.extract_strided_slice %dot_general3A_10 {offsets = [3696, 0], sizes = [50, 256], strides = [1, 1]} : vector<7168x256xf32> to vector<50x256xf32>
    %swap3A_472 = arith.constant 66 : index
    %swap3A_473 = arith.constant 0 : index
    %swap3A_474 = arith.constant 0 : index
    %swap3A_475 = vector.load %arg3[%swap3A_472, %swap3A_473, %swap3A_474] : memref<128x50x256xf32, #tpu.memory_space<vmem>>, vector<1x50x256xf32>
    %swap3A_476 = vector.shape_cast %swap3A_475 : vector<1x50x256xf32> to vector<50x256xf32>
    %swap3A_477 = vector.shape_cast %slice3A_471 : vector<50x256xf32> to vector<1x50x256xf32>
    tpu.vector_store %arg3[%swap3A_472, %swap3A_473, %swap3A_474], %swap3A_477 {strides = array<i32>} : memref<128x50x256xf32, #tpu.memory_space<vmem>>, vector<1x50x256xf32>,
    %slice3A_478 = vector.extract_strided_slice %dot_general3A_10 {offsets = [3752, 0], sizes = [50, 256], strides = [1, 1]} : vector<7168x256xf32> to vector<50x256xf32>
    %swap3A_479 = arith.constant 67 : index
    %swap3A_480 = arith.constant 0 : index
    %swap3A_481 = arith.constant 0 : index
    %swap3A_482 = vector.load %arg3[%swap3A_479, %swap3A_480, %swap3A_481] : memref<128x50x256xf32, #tpu.memory_space<vmem>>, vector<1x50x256xf32>
    %swap3A_483 = vector.shape_cast %swap3A_482 : vector<1x50x256xf32> to vector<50x256xf32>
    %swap3A_484 = vector.shape_cast %slice3A_478 : vector<50x256xf32> to vector<1x50x256xf32>
    tpu.vector_store %arg3[%swap3A_479, %swap3A_480, %swap3A_481], %swap3A_484 {strides = array<i32>} : memref<128x50x256xf32, #tpu.memory_space<vmem>>, vector<1x50x256xf32>,
    %slice3A_485 = vector.extract_strided_slice %dot_general3A_10 {offsets = [3808, 0], sizes = [50, 256], strides = [1, 1]} : vector<7168x256xf32> to vector<50x256xf32>
    %swap3A_486 = arith.constant 68 : index
    %swap3A_487 = arith.constant 0 : index
    %swap3A_488 = arith.constant 0 : index
    %swap3A_489 = vector.load %arg3[%swap3A_486, %swap3A_487, %swap3A_488] : memref<128x50x256xf32, #tpu.memory_space<vmem>>, vector<1x50x256xf32>
    %swap3A_490 = vector.shape_cast %swap3A_489 : vector<1x50x256xf32> to vector<50x256xf32>
    %swap3A_491 = vector.shape_cast %slice3A_485 : vector<50x256xf32> to vector<1x50x256xf32>
    tpu.vector_store %arg3[%swap3A_486, %swap3A_487, %swap3A_488], %swap3A_491 {strides = array<i32>} : memref<128x50x256xf32, #tpu.memory_space<vmem>>, vector<1x50x256xf32>,
    %slice3A_492 = vector.extract_strided_slice %dot_general3A_10 {offsets = [3864, 0], sizes = [50, 256], strides = [1, 1]} : vector<7168x256xf32> to vector<50x256xf32>
    %swap3A_493 = arith.constant 69 : index
    %swap3A_494 = arith.constant 0 : index
    %swap3A_495 = arith.constant 0 : index
    %swap3A_496 = vector.load %arg3[%swap3A_493, %swap3A_494, %swap3A_495] : memref<128x50x256xf32, #tpu.memory_space<vmem>>, vector<1x50x256xf32>
    %swap3A_497 = vector.shape_cast %swap3A_496 : vector<1x50x256xf32> to vector<50x256xf32>
    %swap3A_498 = vector.shape_cast %slice3A_492 : vector<50x256xf32> to vector<1x50x256xf32>
    tpu.vector_store %arg3[%swap3A_493, %swap3A_494, %swap3A_495], %swap3A_498 {strides = array<i32>} : memref<128x50x256xf32, #tpu.memory_space<vmem>>, vector<1x50x256xf32>,
    %slice3A_499 = vector.extract_strided_slice %dot_general3A_10 {offsets = [3920, 0], sizes = [50, 256], strides = [1, 1]} : vector<7168x256xf32> to vector<50x256xf32>
    %swap3A_500 = arith.constant 70 : index
    %swap3A_501 = arith.constant 0 : index
    %swap3A_502 = arith.constant 0 : index
    %swap3A_503 = vector.load %arg3[%swap3A_500, %swap3A_501, %swap3A_502] : memref<128x50x256xf32, #tpu.memory_space<vmem>>, vector<1x50x256xf32>
    %swap3A_504 = vector.shape_cast %swap3A_503 : vector<1x50x256xf32> to vector<50x256xf32>
    %swap3A_505 = vector.shape_cast %slice3A_499 : vector<50x256xf32> to vector<1x50x256xf32>
    tpu.vector_store %arg3[%swap3A_500, %swap3A_501, %swap3A_502], %swap3A_505 {strides = array<i32>} : memref<128x50x256xf32, #tpu.memory_space<vmem>>, vector<1x50x256xf32>,
    %slice3A_506 = vector.extract_strided_slice %dot_general3A_10 {offsets = [3976, 0], sizes = [50, 256], strides = [1, 1]} : vector<7168x256xf32> to vector<50x256xf32>
    %swap3A_507 = arith.constant 71 : index
    %swap3A_508 = arith.constant 0 : index
    %swap3A_509 = arith.constant 0 : index
    %swap3A_510 = vector.load %arg3[%swap3A_507, %swap3A_508, %swap3A_509] : memref<128x50x256xf32, #tpu.memory_space<vmem>>, vector<1x50x256xf32>
    %swap3A_511 = vector.shape_cast %swap3A_510 : vector<1x50x256xf32> to vector<50x256xf32>
    %swap3A_512 = vector.shape_cast %slice3A_506 : vector<50x256xf32> to vector<1x50x256xf32>
    tpu.vector_store %arg3[%swap3A_507, %swap3A_508, %swap3A_509], %swap3A_512 {strides = array<i32>} : memref<128x50x256xf32, #tpu.memory_space<vmem>>, vector<1x50x256xf32>,
    %slice3A_513 = vector.extract_strided_slice %dot_general3A_10 {offsets = [4032, 0], sizes = [50, 256], strides = [1, 1]} : vector<7168x256xf32> to vector<50x256xf32>
    %swap3A_514 = arith.constant 72 : index
    %swap3A_515 = arith.constant 0 : index
    %swap3A_516 = arith.constant 0 : index
    %swap3A_517 = vector.load %arg3[%swap3A_514, %swap3A_515, %swap3A_516] : memref<128x50x256xf32, #tpu.memory_space<vmem>>, vector<1x50x256xf32>
    %swap3A_518 = vector.shape_cast %swap3A_517 : vector<1x50x256xf32> to vector<50x256xf32>
    %swap3A_519 = vector.shape_cast %slice3A_513 : vector<50x256xf32> to vector<1x50x256xf32>
    tpu.vector_store %arg3[%swap3A_514, %swap3A_515, %swap3A_516], %swap3A_519 {strides = array<i32>} : memref<128x50x256xf32, #tpu.memory_space<vmem>>, vector<1x50x256xf32>,
    %slice3A_520 = vector.extract_strided_slice %dot_general3A_10 {offsets = [4088, 0], sizes = [50, 256], strides = [1, 1]} : vector<7168x256xf32> to vector<50x256xf32>
    %swap3A_521 = arith.constant 73 : index
    %swap3A_522 = arith.constant 0 : index
    %swap3A_523 = arith.constant 0 : index
    %swap3A_524 = vector.load %arg3[%swap3A_521, %swap3A_522, %swap3A_523] : memref<128x50x256xf32, #tpu.memory_space<vmem>>, vector<1x50x256xf32>
    %swap3A_525 = vector.shape_cast %swap3A_524 : vector<1x50x256xf32> to vector<50x256xf32>
    %swap3A_526 = vector.shape_cast %slice3A_520 : vector<50x256xf32> to vector<1x50x256xf32>
    tpu.vector_store %arg3[%swap3A_521, %swap3A_522, %swap3A_523], %swap3A_526 {strides = array<i32>} : memref<128x50x256xf32, #tpu.memory_space<vmem>>, vector<1x50x256xf32>,
    %slice3A_527 = vector.extract_strided_slice %dot_general3A_10 {offsets = [4144, 0], sizes = [50, 256], strides = [1, 1]} : vector<7168x256xf32> to vector<50x256xf32>
    %swap3A_528 = arith.constant 74 : index
    %swap3A_529 = arith.constant 0 : index
    %swap3A_530 = arith.constant 0 : index
    %swap3A_531 = vector.load %arg3[%swap3A_528, %swap3A_529, %swap3A_530] : memref<128x50x256xf32, #tpu.memory_space<vmem>>, vector<1x50x256xf32>
    %swap3A_532 = vector.shape_cast %swap3A_531 : vector<1x50x256xf32> to vector<50x256xf32>
    %swap3A_533 = vector.shape_cast %slice3A_527 : vector<50x256xf32> to vector<1x50x256xf32>
    tpu.vector_store %arg3[%swap3A_528, %swap3A_529, %swap3A_530], %swap3A_533 {strides = array<i32>} : memref<128x50x256xf32, #tpu.memory_space<vmem>>, vector<1x50x256xf32>,
    %slice3A_534 = vector.extract_strided_slice %dot_general3A_10 {offsets = [4200, 0], sizes = [50, 256], strides = [1, 1]} : vector<7168x256xf32> to vector<50x256xf32>
    %swap3A_535 = arith.constant 75 : index
    %swap3A_536 = arith.constant 0 : index
    %swap3A_537 = arith.constant 0 : index
    %swap3A_538 = vector.load %arg3[%swap3A_535, %swap3A_536, %swap3A_537] : memref<128x50x256xf32, #tpu.memory_space<vmem>>, vector<1x50x256xf32>
    %swap3A_539 = vector.shape_cast %swap3A_538 : vector<1x50x256xf32> to vector<50x256xf32>
    %swap3A_540 = vector.shape_cast %slice3A_534 : vector<50x256xf32> to vector<1x50x256xf32>
    tpu.vector_store %arg3[%swap3A_535, %swap3A_536, %swap3A_537], %swap3A_540 {strides = array<i32>} : memref<128x50x256xf32, #tpu.memory_space<vmem>>, vector<1x50x256xf32>,
    %slice3A_541 = vector.extract_strided_slice %dot_general3A_10 {offsets = [4256, 0], sizes = [50, 256], strides = [1, 1]} : vector<7168x256xf32> to vector<50x256xf32>
    %swap3A_542 = arith.constant 76 : index
    %swap3A_543 = arith.constant 0 : index
    %swap3A_544 = arith.constant 0 : index
    %swap3A_545 = vector.load %arg3[%swap3A_542, %swap3A_543, %swap3A_544] : memref<128x50x256xf32, #tpu.memory_space<vmem>>, vector<1x50x256xf32>
    %swap3A_546 = vector.shape_cast %swap3A_545 : vector<1x50x256xf32> to vector<50x256xf32>
    %swap3A_547 = vector.shape_cast %slice3A_541 : vector<50x256xf32> to vector<1x50x256xf32>
    tpu.vector_store %arg3[%swap3A_542, %swap3A_543, %swap3A_544], %swap3A_547 {strides = array<i32>} : memref<128x50x256xf32, #tpu.memory_space<vmem>>, vector<1x50x256xf32>,
    %slice3A_548 = vector.extract_strided_slice %dot_general3A_10 {offsets = [4312, 0], sizes = [50, 256], strides = [1, 1]} : vector<7168x256xf32> to vector<50x256xf32>
    %swap3A_549 = arith.constant 77 : index
    %swap3A_550 = arith.constant 0 : index
    %swap3A_551 = arith.constant 0 : index
    %swap3A_552 = vector.load %arg3[%swap3A_549, %swap3A_550, %swap3A_551] : memref<128x50x256xf32, #tpu.memory_space<vmem>>, vector<1x50x256xf32>
    %swap3A_553 = vector.shape_cast %swap3A_552 : vector<1x50x256xf32> to vector<50x256xf32>
    %swap3A_554 = vector.shape_cast %slice3A_548 : vector<50x256xf32> to vector<1x50x256xf32>
    tpu.vector_store %arg3[%swap3A_549, %swap3A_550, %swap3A_551], %swap3A_554 {strides = array<i32>} : memref<128x50x256xf32, #tpu.memory_space<vmem>>, vector<1x50x256xf32>,
    %slice3A_555 = vector.extract_strided_slice %dot_general3A_10 {offsets = [4368, 0], sizes = [50, 256], strides = [1, 1]} : vector<7168x256xf32> to vector<50x256xf32>
    %swap3A_556 = arith.constant 78 : index
    %swap3A_557 = arith.constant 0 : index
    %swap3A_558 = arith.constant 0 : index
    %swap3A_559 = vector.load %arg3[%swap3A_556, %swap3A_557, %swap3A_558] : memref<128x50x256xf32, #tpu.memory_space<vmem>>, vector<1x50x256xf32>
    %swap3A_560 = vector.shape_cast %swap3A_559 : vector<1x50x256xf32> to vector<50x256xf32>
    %swap3A_561 = vector.shape_cast %slice3A_555 : vector<50x256xf32> to vector<1x50x256xf32>
    tpu.vector_store %arg3[%swap3A_556, %swap3A_557, %swap3A_558], %swap3A_561 {strides = array<i32>} : memref<128x50x256xf32, #tpu.memory_space<vmem>>, vector<1x50x256xf32>,
    %slice3A_562 = vector.extract_strided_slice %dot_general3A_10 {offsets = [4424, 0], sizes = [50, 256], strides = [1, 1]} : vector<7168x256xf32> to vector<50x256xf32>
    %swap3A_563 = arith.constant 79 : index
    %swap3A_564 = arith.constant 0 : index
    %swap3A_565 = arith.constant 0 : index
    %swap3A_566 = vector.load %arg3[%swap3A_563, %swap3A_564, %swap3A_565] : memref<128x50x256xf32, #tpu.memory_space<vmem>>, vector<1x50x256xf32>
    %swap3A_567 = vector.shape_cast %swap3A_566 : vector<1x50x256xf32> to vector<50x256xf32>
    %swap3A_568 = vector.shape_cast %slice3A_562 : vector<50x256xf32> to vector<1x50x256xf32>
    tpu.vector_store %arg3[%swap3A_563, %swap3A_564, %swap3A_565], %swap3A_568 {strides = array<i32>} : memref<128x50x256xf32, #tpu.memory_space<vmem>>, vector<1x50x256xf32>,
    %slice3A_569 = vector.extract_strided_slice %dot_general3A_10 {offsets = [4480, 0], sizes = [50, 256], strides = [1, 1]} : vector<7168x256xf32> to vector<50x256xf32>
    %swap3A_570 = arith.constant 80 : index
    %swap3A_571 = arith.constant 0 : index
    %swap3A_572 = arith.constant 0 : index
    %swap3A_573 = vector.load %arg3[%swap3A_570, %swap3A_571, %swap3A_572] : memref<128x50x256xf32, #tpu.memory_space<vmem>>, vector<1x50x256xf32>
    %swap3A_574 = vector.shape_cast %swap3A_573 : vector<1x50x256xf32> to vector<50x256xf32>
    %swap3A_575 = vector.shape_cast %slice3A_569 : vector<50x256xf32> to vector<1x50x256xf32>
    tpu.vector_store %arg3[%swap3A_570, %swap3A_571, %swap3A_572], %swap3A_575 {strides = array<i32>} : memref<128x50x256xf32, #tpu.memory_space<vmem>>, vector<1x50x256xf32>,
    %slice3A_576 = vector.extract_strided_slice %dot_general3A_10 {offsets = [4536, 0], sizes = [50, 256], strides = [1, 1]} : vector<7168x256xf32> to vector<50x256xf32>
    %swap3A_577 = arith.constant 81 : index
    %swap3A_578 = arith.constant 0 : index
    %swap3A_579 = arith.constant 0 : index
    %swap3A_580 = vector.load %arg3[%swap3A_577, %swap3A_578, %swap3A_579] : memref<128x50x256xf32, #tpu.memory_space<vmem>>, vector<1x50x256xf32>
    %swap3A_581 = vector.shape_cast %swap3A_580 : vector<1x50x256xf32> to vector<50x256xf32>
    %swap3A_582 = vector.shape_cast %slice3A_576 : vector<50x256xf32> to vector<1x50x256xf32>
    tpu.vector_store %arg3[%swap3A_577, %swap3A_578, %swap3A_579], %swap3A_582 {strides = array<i32>} : memref<128x50x256xf32, #tpu.memory_space<vmem>>, vector<1x50x256xf32>,
    %slice3A_583 = vector.extract_strided_slice %dot_general3A_10 {offsets = [4592, 0], sizes = [50, 256], strides = [1, 1]} : vector<7168x256xf32> to vector<50x256xf32>
    %swap3A_584 = arith.constant 82 : index
    %swap3A_585 = arith.constant 0 : index
    %swap3A_586 = arith.constant 0 : index
    %swap3A_587 = vector.load %arg3[%swap3A_584, %swap3A_585, %swap3A_586] : memref<128x50x256xf32, #tpu.memory_space<vmem>>, vector<1x50x256xf32>
    %swap3A_588 = vector.shape_cast %swap3A_587 : vector<1x50x256xf32> to vector<50x256xf32>
    %swap3A_589 = vector.shape_cast %slice3A_583 : vector<50x256xf32> to vector<1x50x256xf32>
    tpu.vector_store %arg3[%swap3A_584, %swap3A_585, %swap3A_586], %swap3A_589 {strides = array<i32>} : memref<128x50x256xf32, #tpu.memory_space<vmem>>, vector<1x50x256xf32>,
    %slice3A_590 = vector.extract_strided_slice %dot_general3A_10 {offsets = [4648, 0], sizes = [50, 256], strides = [1, 1]} : vector<7168x256xf32> to vector<50x256xf32>
    %swap3A_591 = arith.constant 83 : index
    %swap3A_592 = arith.constant 0 : index
    %swap3A_593 = arith.constant 0 : index
    %swap3A_594 = vector.load %arg3[%swap3A_591, %swap3A_592, %swap3A_593] : memref<128x50x256xf32, #tpu.memory_space<vmem>>, vector<1x50x256xf32>
    %swap3A_595 = vector.shape_cast %swap3A_594 : vector<1x50x256xf32> to vector<50x256xf32>
    %swap3A_596 = vector.shape_cast %slice3A_590 : vector<50x256xf32> to vector<1x50x256xf32>
    tpu.vector_store %arg3[%swap3A_591, %swap3A_592, %swap3A_593], %swap3A_596 {strides = array<i32>} : memref<128x50x256xf32, #tpu.memory_space<vmem>>, vector<1x50x256xf32>,
    %slice3A_597 = vector.extract_strided_slice %dot_general3A_10 {offsets = [4704, 0], sizes = [50, 256], strides = [1, 1]} : vector<7168x256xf32> to vector<50x256xf32>
    %swap3A_598 = arith.constant 84 : index
    %swap3A_599 = arith.constant 0 : index
    %swap3A_600 = arith.constant 0 : index
    %swap3A_601 = vector.load %arg3[%swap3A_598, %swap3A_599, %swap3A_600] : memref<128x50x256xf32, #tpu.memory_space<vmem>>, vector<1x50x256xf32>
    %swap3A_602 = vector.shape_cast %swap3A_601 : vector<1x50x256xf32> to vector<50x256xf32>
    %swap3A_603 = vector.shape_cast %slice3A_597 : vector<50x256xf32> to vector<1x50x256xf32>
    tpu.vector_store %arg3[%swap3A_598, %swap3A_599, %swap3A_600], %swap3A_603 {strides = array<i32>} : memref<128x50x256xf32, #tpu.memory_space<vmem>>, vector<1x50x256xf32>,
    %slice3A_604 = vector.extract_strided_slice %dot_general3A_10 {offsets = [4760, 0], sizes = [50, 256], strides = [1, 1]} : vector<7168x256xf32> to vector<50x256xf32>
    %swap3A_605 = arith.constant 85 : index
    %swap3A_606 = arith.constant 0 : index
    %swap3A_607 = arith.constant 0 : index
    %swap3A_608 = vector.load %arg3[%swap3A_605, %swap3A_606, %swap3A_607] : memref<128x50x256xf32, #tpu.memory_space<vmem>>, vector<1x50x256xf32>
    %swap3A_609 = vector.shape_cast %swap3A_608 : vector<1x50x256xf32> to vector<50x256xf32>
    %swap3A_610 = vector.shape_cast %slice3A_604 : vector<50x256xf32> to vector<1x50x256xf32>
    tpu.vector_store %arg3[%swap3A_605, %swap3A_606, %swap3A_607], %swap3A_610 {strides = array<i32>} : memref<128x50x256xf32, #tpu.memory_space<vmem>>, vector<1x50x256xf32>,
    %slice3A_611 = vector.extract_strided_slice %dot_general3A_10 {offsets = [4816, 0], sizes = [50, 256], strides = [1, 1]} : vector<7168x256xf32> to vector<50x256xf32>
    %swap3A_612 = arith.constant 86 : index
    %swap3A_613 = arith.constant 0 : index
    %swap3A_614 = arith.constant 0 : index
    %swap3A_615 = vector.load %arg3[%swap3A_612, %swap3A_613, %swap3A_614] : memref<128x50x256xf32, #tpu.memory_space<vmem>>, vector<1x50x256xf32>
    %swap3A_616 = vector.shape_cast %swap3A_615 : vector<1x50x256xf32> to vector<50x256xf32>
    %swap3A_617 = vector.shape_cast %slice3A_611 : vector<50x256xf32> to vector<1x50x256xf32>
    tpu.vector_store %arg3[%swap3A_612, %swap3A_613, %swap3A_614], %swap3A_617 {strides = array<i32>} : memref<128x50x256xf32, #tpu.memory_space<vmem>>, vector<1x50x256xf32>,
    %slice3A_618 = vector.extract_strided_slice %dot_general3A_10 {offsets = [4872, 0], sizes = [50, 256], strides = [1, 1]} : vector<7168x256xf32> to vector<50x256xf32>
    %swap3A_619 = arith.constant 87 : index
    %swap3A_620 = arith.constant 0 : index
    %swap3A_621 = arith.constant 0 : index
    %swap3A_622 = vector.load %arg3[%swap3A_619, %swap3A_620, %swap3A_621] : memref<128x50x256xf32, #tpu.memory_space<vmem>>, vector<1x50x256xf32>
    %swap3A_623 = vector.shape_cast %swap3A_622 : vector<1x50x256xf32> to vector<50x256xf32>
    %swap3A_624 = vector.shape_cast %slice3A_618 : vector<50x256xf32> to vector<1x50x256xf32>
    tpu.vector_store %arg3[%swap3A_619, %swap3A_620, %swap3A_621], %swap3A_624 {strides = array<i32>} : memref<128x50x256xf32, #tpu.memory_space<vmem>>, vector<1x50x256xf32>,
    %slice3A_625 = vector.extract_strided_slice %dot_general3A_10 {offsets = [4928, 0], sizes = [50, 256], strides = [1, 1]} : vector<7168x256xf32> to vector<50x256xf32>
    %swap3A_626 = arith.constant 88 : index
    %swap3A_627 = arith.constant 0 : index
    %swap3A_628 = arith.constant 0 : index
    %swap3A_629 = vector.load %arg3[%swap3A_626, %swap3A_627, %swap3A_628] : memref<128x50x256xf32, #tpu.memory_space<vmem>>, vector<1x50x256xf32>
    %swap3A_630 = vector.shape_cast %swap3A_629 : vector<1x50x256xf32> to vector<50x256xf32>
    %swap3A_631 = vector.shape_cast %slice3A_625 : vector<50x256xf32> to vector<1x50x256xf32>
    tpu.vector_store %arg3[%swap3A_626, %swap3A_627, %swap3A_628], %swap3A_631 {strides = array<i32>} : memref<128x50x256xf32, #tpu.memory_space<vmem>>, vector<1x50x256xf32>,
    %slice3A_632 = vector.extract_strided_slice %dot_general3A_10 {offsets = [4984, 0], sizes = [50, 256], strides = [1, 1]} : vector<7168x256xf32> to vector<50x256xf32>
    %swap3A_633 = arith.constant 89 : index
    %swap3A_634 = arith.constant 0 : index
    %swap3A_635 = arith.constant 0 : index
    %swap3A_636 = vector.load %arg3[%swap3A_633, %swap3A_634, %swap3A_635] : memref<128x50x256xf32, #tpu.memory_space<vmem>>, vector<1x50x256xf32>
    %swap3A_637 = vector.shape_cast %swap3A_636 : vector<1x50x256xf32> to vector<50x256xf32>
    %swap3A_638 = vector.shape_cast %slice3A_632 : vector<50x256xf32> to vector<1x50x256xf32>
    tpu.vector_store %arg3[%swap3A_633, %swap3A_634, %swap3A_635], %swap3A_638 {strides = array<i32>} : memref<128x50x256xf32, #tpu.memory_space<vmem>>, vector<1x50x256xf32>,
    %slice3A_639 = vector.extract_strided_slice %dot_general3A_10 {offsets = [5040, 0], sizes = [50, 256], strides = [1, 1]} : vector<7168x256xf32> to vector<50x256xf32>
    %swap3A_640 = arith.constant 90 : index
    %swap3A_641 = arith.constant 0 : index
    %swap3A_642 = arith.constant 0 : index
    %swap3A_643 = vector.load %arg3[%swap3A_640, %swap3A_641, %swap3A_642] : memref<128x50x256xf32, #tpu.memory_space<vmem>>, vector<1x50x256xf32>
    %swap3A_644 = vector.shape_cast %swap3A_643 : vector<1x50x256xf32> to vector<50x256xf32>
    %swap3A_645 = vector.shape_cast %slice3A_639 : vector<50x256xf32> to vector<1x50x256xf32>
    tpu.vector_store %arg3[%swap3A_640, %swap3A_641, %swap3A_642], %swap3A_645 {strides = array<i32>} : memref<128x50x256xf32, #tpu.memory_space<vmem>>, vector<1x50x256xf32>,
    %slice3A_646 = vector.extract_strided_slice %dot_general3A_10 {offsets = [5096, 0], sizes = [50, 256], strides = [1, 1]} : vector<7168x256xf32> to vector<50x256xf32>
    %swap3A_647 = arith.constant 91 : index
    %swap3A_648 = arith.constant 0 : index
    %swap3A_649 = arith.constant 0 : index
    %swap3A_650 = vector.load %arg3[%swap3A_647, %swap3A_648, %swap3A_649] : memref<128x50x256xf32, #tpu.memory_space<vmem>>, vector<1x50x256xf32>
    %swap3A_651 = vector.shape_cast %swap3A_650 : vector<1x50x256xf32> to vector<50x256xf32>
    %swap3A_652 = vector.shape_cast %slice3A_646 : vector<50x256xf32> to vector<1x50x256xf32>
    tpu.vector_store %arg3[%swap3A_647, %swap3A_648, %swap3A_649], %swap3A_652 {strides = array<i32>} : memref<128x50x256xf32, #tpu.memory_space<vmem>>, vector<1x50x256xf32>,
    %slice3A_653 = vector.extract_strided_slice %dot_general3A_10 {offsets = [5152, 0], sizes = [50, 256], strides = [1, 1]} : vector<7168x256xf32> to vector<50x256xf32>
    %swap3A_654 = arith.constant 92 : index
    %swap3A_655 = arith.constant 0 : index
    %swap3A_656 = arith.constant 0 : index
    %swap3A_657 = vector.load %arg3[%swap3A_654, %swap3A_655, %swap3A_656] : memref<128x50x256xf32, #tpu.memory_space<vmem>>, vector<1x50x256xf32>
    %swap3A_658 = vector.shape_cast %swap3A_657 : vector<1x50x256xf32> to vector<50x256xf32>
    %swap3A_659 = vector.shape_cast %slice3A_653 : vector<50x256xf32> to vector<1x50x256xf32>
    tpu.vector_store %arg3[%swap3A_654, %swap3A_655, %swap3A_656], %swap3A_659 {strides = array<i32>} : memref<128x50x256xf32, #tpu.memory_space<vmem>>, vector<1x50x256xf32>,
    %slice3A_660 = vector.extract_strided_slice %dot_general3A_10 {offsets = [5208, 0], sizes = [50, 256], strides = [1, 1]} : vector<7168x256xf32> to vector<50x256xf32>
    %swap3A_661 = arith.constant 93 : index
    %swap3A_662 = arith.constant 0 : index
    %swap3A_663 = arith.constant 0 : index
    %swap3A_664 = vector.load %arg3[%swap3A_661, %swap3A_662, %swap3A_663] : memref<128x50x256xf32, #tpu.memory_space<vmem>>, vector<1x50x256xf32>
    %swap3A_665 = vector.shape_cast %swap3A_664 : vector<1x50x256xf32> to vector<50x256xf32>
    %swap3A_666 = vector.shape_cast %slice3A_660 : vector<50x256xf32> to vector<1x50x256xf32>
    tpu.vector_store %arg3[%swap3A_661, %swap3A_662, %swap3A_663], %swap3A_666 {strides = array<i32>} : memref<128x50x256xf32, #tpu.memory_space<vmem>>, vector<1x50x256xf32>,
    %slice3A_667 = vector.extract_strided_slice %dot_general3A_10 {offsets = [5264, 0], sizes = [50, 256], strides = [1, 1]} : vector<7168x256xf32> to vector<50x256xf32>
    %swap3A_668 = arith.constant 94 : index
    %swap3A_669 = arith.constant 0 : index
    %swap3A_670 = arith.constant 0 : index
    %swap3A_671 = vector.load %arg3[%swap3A_668, %swap3A_669, %swap3A_670] : memref<128x50x256xf32, #tpu.memory_space<vmem>>, vector<1x50x256xf32>
    %swap3A_672 = vector.shape_cast %swap3A_671 : vector<1x50x256xf32> to vector<50x256xf32>
    %swap3A_673 = vector.shape_cast %slice3A_667 : vector<50x256xf32> to vector<1x50x256xf32>
    tpu.vector_store %arg3[%swap3A_668, %swap3A_669, %swap3A_670], %swap3A_673 {strides = array<i32>} : memref<128x50x256xf32, #tpu.memory_space<vmem>>, vector<1x50x256xf32>,
    %slice3A_674 = vector.extract_strided_slice %dot_general3A_10 {offsets = [5320, 0], sizes = [50, 256], strides = [1, 1]} : vector<7168x256xf32> to vector<50x256xf32>
    %swap3A_675 = arith.constant 95 : index
    %swap3A_676 = arith.constant 0 : index
    %swap3A_677 = arith.constant 0 : index
    %swap3A_678 = vector.load %arg3[%swap3A_675, %swap3A_676, %swap3A_677] : memref<128x50x256xf32, #tpu.memory_space<vmem>>, vector<1x50x256xf32>
    %swap3A_679 = vector.shape_cast %swap3A_678 : vector<1x50x256xf32> to vector<50x256xf32>
    %swap3A_680 = vector.shape_cast %slice3A_674 : vector<50x256xf32> to vector<1x50x256xf32>
    tpu.vector_store %arg3[%swap3A_675, %swap3A_676, %swap3A_677], %swap3A_680 {strides = array<i32>} : memref<128x50x256xf32, #tpu.memory_space<vmem>>, vector<1x50x256xf32>,
    %slice3A_681 = vector.extract_strided_slice %dot_general3A_10 {offsets = [5376, 0], sizes = [50, 256], strides = [1, 1]} : vector<7168x256xf32> to vector<50x256xf32>
    %swap3A_682 = arith.constant 96 : index
    %swap3A_683 = arith.constant 0 : index
    %swap3A_684 = arith.constant 0 : index
    %swap3A_685 = vector.load %arg3[%swap3A_682, %swap3A_683, %swap3A_684] : memref<128x50x256xf32, #tpu.memory_space<vmem>>, vector<1x50x256xf32>
    %swap3A_686 = vector.shape_cast %swap3A_685 : vector<1x50x256xf32> to vector<50x256xf32>
    %swap3A_687 = vector.shape_cast %slice3A_681 : vector<50x256xf32> to vector<1x50x256xf32>
    tpu.vector_store %arg3[%swap3A_682, %swap3A_683, %swap3A_684], %swap3A_687 {strides = array<i32>} : memref<128x50x256xf32, #tpu.memory_space<vmem>>, vector<1x50x256xf32>,
    %slice3A_688 = vector.extract_strided_slice %dot_general3A_10 {offsets = [5432, 0], sizes = [50, 256], strides = [1, 1]} : vector<7168x256xf32> to vector<50x256xf32>
    %swap3A_689 = arith.constant 97 : index
    %swap3A_690 = arith.constant 0 : index
    %swap3A_691 = arith.constant 0 : index
    %swap3A_692 = vector.load %arg3[%swap3A_689, %swap3A_690, %swap3A_691] : memref<128x50x256xf32, #tpu.memory_space<vmem>>, vector<1x50x256xf32>
    %swap3A_693 = vector.shape_cast %swap3A_692 : vector<1x50x256xf32> to vector<50x256xf32>
    %swap3A_694 = vector.shape_cast %slice3A_688 : vector<50x256xf32> to vector<1x50x256xf32>
    tpu.vector_store %arg3[%swap3A_689, %swap3A_690, %swap3A_691], %swap3A_694 {strides = array<i32>} : memref<128x50x256xf32, #tpu.memory_space<vmem>>, vector<1x50x256xf32>,
    %slice3A_695 = vector.extract_strided_slice %dot_general3A_10 {offsets = [5488, 0], sizes = [50, 256], strides = [1, 1]} : vector<7168x256xf32> to vector<50x256xf32>
    %swap3A_696 = arith.constant 98 : index
    %swap3A_697 = arith.constant 0 : index
    %swap3A_698 = arith.constant 0 : index
    %swap3A_699 = vector.load %arg3[%swap3A_696, %swap3A_697, %swap3A_698] : memref<128x50x256xf32, #tpu.memory_space<vmem>>, vector<1x50x256xf32>
    %swap3A_700 = vector.shape_cast %swap3A_699 : vector<1x50x256xf32> to vector<50x256xf32>
    %swap3A_701 = vector.shape_cast %slice3A_695 : vector<50x256xf32> to vector<1x50x256xf32>
    tpu.vector_store %arg3[%swap3A_696, %swap3A_697, %swap3A_698], %swap3A_701 {strides = array<i32>} : memref<128x50x256xf32, #tpu.memory_space<vmem>>, vector<1x50x256xf32>,
    %slice3A_702 = vector.extract_strided_slice %dot_general3A_10 {offsets = [5544, 0], sizes = [50, 256], strides = [1, 1]} : vector<7168x256xf32> to vector<50x256xf32>
    %swap3A_703 = arith.constant 99 : index
    %swap3A_704 = arith.constant 0 : index
    %swap3A_705 = arith.constant 0 : index
    %swap3A_706 = vector.load %arg3[%swap3A_703, %swap3A_704, %swap3A_705] : memref<128x50x256xf32, #tpu.memory_space<vmem>>, vector<1x50x256xf32>
    %swap3A_707 = vector.shape_cast %swap3A_706 : vector<1x50x256xf32> to vector<50x256xf32>
    %swap3A_708 = vector.shape_cast %slice3A_702 : vector<50x256xf32> to vector<1x50x256xf32>
    tpu.vector_store %arg3[%swap3A_703, %swap3A_704, %swap3A_705], %swap3A_708 {strides = array<i32>} : memref<128x50x256xf32, #tpu.memory_space<vmem>>, vector<1x50x256xf32>,
    %slice3A_709 = vector.extract_strided_slice %dot_general3A_10 {offsets = [5600, 0], sizes = [50, 256], strides = [1, 1]} : vector<7168x256xf32> to vector<50x256xf32>
    %swap3A_710 = arith.constant 100 : index
    %swap3A_711 = arith.constant 0 : index
    %swap3A_712 = arith.constant 0 : index
    %swap3A_713 = vector.load %arg3[%swap3A_710, %swap3A_711, %swap3A_712] : memref<128x50x256xf32, #tpu.memory_space<vmem>>, vector<1x50x256xf32>
    %swap3A_714 = vector.shape_cast %swap3A_713 : vector<1x50x256xf32> to vector<50x256xf32>
    %swap3A_715 = vector.shape_cast %slice3A_709 : vector<50x256xf32> to vector<1x50x256xf32>
    tpu.vector_store %arg3[%swap3A_710, %swap3A_711, %swap3A_712], %swap3A_715 {strides = array<i32>} : memref<128x50x256xf32, #tpu.memory_space<vmem>>, vector<1x50x256xf32>,
    %slice3A_716 = vector.extract_strided_slice %dot_general3A_10 {offsets = [5656, 0], sizes = [50, 256], strides = [1, 1]} : vector<7168x256xf32> to vector<50x256xf32>
    %swap3A_717 = arith.constant 101 : index
    %swap3A_718 = arith.constant 0 : index
    %swap3A_719 = arith.constant 0 : index
    %swap3A_720 = vector.load %arg3[%swap3A_717, %swap3A_718, %swap3A_719] : memref<128x50x256xf32, #tpu.memory_space<vmem>>, vector<1x50x256xf32>
    %swap3A_721 = vector.shape_cast %swap3A_720 : vector<1x50x256xf32> to vector<50x256xf32>
    %swap3A_722 = vector.shape_cast %slice3A_716 : vector<50x256xf32> to vector<1x50x256xf32>
    tpu.vector_store %arg3[%swap3A_717, %swap3A_718, %swap3A_719], %swap3A_722 {strides = array<i32>} : memref<128x50x256xf32, #tpu.memory_space<vmem>>, vector<1x50x256xf32>,
    %slice3A_723 = vector.extract_strided_slice %dot_general3A_10 {offsets = [5712, 0], sizes = [50, 256], strides = [1, 1]} : vector<7168x256xf32> to vector<50x256xf32>
    %swap3A_724 = arith.constant 102 : index
    %swap3A_725 = arith.constant 0 : index
    %swap3A_726 = arith.constant 0 : index
    %swap3A_727 = vector.load %arg3[%swap3A_724, %swap3A_725, %swap3A_726] : memref<128x50x256xf32, #tpu.memory_space<vmem>>, vector<1x50x256xf32>
    %swap3A_728 = vector.shape_cast %swap3A_727 : vector<1x50x256xf32> to vector<50x256xf32>
    %swap3A_729 = vector.shape_cast %slice3A_723 : vector<50x256xf32> to vector<1x50x256xf32>
    tpu.vector_store %arg3[%swap3A_724, %swap3A_725, %swap3A_726], %swap3A_729 {strides = array<i32>} : memref<128x50x256xf32, #tpu.memory_space<vmem>>, vector<1x50x256xf32>,
    %slice3A_730 = vector.extract_strided_slice %dot_general3A_10 {offsets = [5768, 0], sizes = [50, 256], strides = [1, 1]} : vector<7168x256xf32> to vector<50x256xf32>
    %swap3A_731 = arith.constant 103 : index
    %swap3A_732 = arith.constant 0 : index
    %swap3A_733 = arith.constant 0 : index
    %swap3A_734 = vector.load %arg3[%swap3A_731, %swap3A_732, %swap3A_733] : memref<128x50x256xf32, #tpu.memory_space<vmem>>, vector<1x50x256xf32>
    %swap3A_735 = vector.shape_cast %swap3A_734 : vector<1x50x256xf32> to vector<50x256xf32>
    %swap3A_736 = vector.shape_cast %slice3A_730 : vector<50x256xf32> to vector<1x50x256xf32>
    tpu.vector_store %arg3[%swap3A_731, %swap3A_732, %swap3A_733], %swap3A_736 {strides = array<i32>} : memref<128x50x256xf32, #tpu.memory_space<vmem>>, vector<1x50x256xf32>,
    %slice3A_737 = vector.extract_strided_slice %dot_general3A_10 {offsets = [5824, 0], sizes = [50, 256], strides = [1, 1]} : vector<7168x256xf32> to vector<50x256xf32>
    %swap3A_738 = arith.constant 104 : index
    %swap3A_739 = arith.constant 0 : index
    %swap3A_740 = arith.constant 0 : index
    %swap3A_741 = vector.load %arg3[%swap3A_738, %swap3A_739, %swap3A_740] : memref<128x50x256xf32, #tpu.memory_space<vmem>>, vector<1x50x256xf32>
    %swap3A_742 = vector.shape_cast %swap3A_741 : vector<1x50x256xf32> to vector<50x256xf32>
    %swap3A_743 = vector.shape_cast %slice3A_737 : vector<50x256xf32> to vector<1x50x256xf32>
    tpu.vector_store %arg3[%swap3A_738, %swap3A_739, %swap3A_740], %swap3A_743 {strides = array<i32>} : memref<128x50x256xf32, #tpu.memory_space<vmem>>, vector<1x50x256xf32>,
    %slice3A_744 = vector.extract_strided_slice %dot_general3A_10 {offsets = [5880, 0], sizes = [50, 256], strides = [1, 1]} : vector<7168x256xf32> to vector<50x256xf32>
    %swap3A_745 = arith.constant 105 : index
    %swap3A_746 = arith.constant 0 : index
    %swap3A_747 = arith.constant 0 : index
    %swap3A_748 = vector.load %arg3[%swap3A_745, %swap3A_746, %swap3A_747] : memref<128x50x256xf32, #tpu.memory_space<vmem>>, vector<1x50x256xf32>
    %swap3A_749 = vector.shape_cast %swap3A_748 : vector<1x50x256xf32> to vector<50x256xf32>
    %swap3A_750 = vector.shape_cast %slice3A_744 : vector<50x256xf32> to vector<1x50x256xf32>
    tpu.vector_store %arg3[%swap3A_745, %swap3A_746, %swap3A_747], %swap3A_750 {strides = array<i32>} : memref<128x50x256xf32, #tpu.memory_space<vmem>>, vector<1x50x256xf32>,
    %slice3A_751 = vector.extract_strided_slice %dot_general3A_10 {offsets = [5936, 0], sizes = [50, 256], strides = [1, 1]} : vector<7168x256xf32> to vector<50x256xf32>
    %swap3A_752 = arith.constant 106 : index
    %swap3A_753 = arith.constant 0 : index
    %swap3A_754 = arith.constant 0 : index
    %swap3A_755 = vector.load %arg3[%swap3A_752, %swap3A_753, %swap3A_754] : memref<128x50x256xf32, #tpu.memory_space<vmem>>, vector<1x50x256xf32>
    %swap3A_756 = vector.shape_cast %swap3A_755 : vector<1x50x256xf32> to vector<50x256xf32>
    %swap3A_757 = vector.shape_cast %slice3A_751 : vector<50x256xf32> to vector<1x50x256xf32>
    tpu.vector_store %arg3[%swap3A_752, %swap3A_753, %swap3A_754], %swap3A_757 {strides = array<i32>} : memref<128x50x256xf32, #tpu.memory_space<vmem>>, vector<1x50x256xf32>,
    %slice3A_758 = vector.extract_strided_slice %dot_general3A_10 {offsets = [5992, 0], sizes = [50, 256], strides = [1, 1]} : vector<7168x256xf32> to vector<50x256xf32>
    %swap3A_759 = arith.constant 107 : index
    %swap3A_760 = arith.constant 0 : index
    %swap3A_761 = arith.constant 0 : index
    %swap3A_762 = vector.load %arg3[%swap3A_759, %swap3A_760, %swap3A_761] : memref<128x50x256xf32, #tpu.memory_space<vmem>>, vector<1x50x256xf32>
    %swap3A_763 = vector.shape_cast %swap3A_762 : vector<1x50x256xf32> to vector<50x256xf32>
    %swap3A_764 = vector.shape_cast %slice3A_758 : vector<50x256xf32> to vector<1x50x256xf32>
    tpu.vector_store %arg3[%swap3A_759, %swap3A_760, %swap3A_761], %swap3A_764 {strides = array<i32>} : memref<128x50x256xf32, #tpu.memory_space<vmem>>, vector<1x50x256xf32>,
    %slice3A_765 = vector.extract_strided_slice %dot_general3A_10 {offsets = [6048, 0], sizes = [50, 256], strides = [1, 1]} : vector<7168x256xf32> to vector<50x256xf32>
    %swap3A_766 = arith.constant 108 : index
    %swap3A_767 = arith.constant 0 : index
    %swap3A_768 = arith.constant 0 : index
    %swap3A_769 = vector.load %arg3[%swap3A_766, %swap3A_767, %swap3A_768] : memref<128x50x256xf32, #tpu.memory_space<vmem>>, vector<1x50x256xf32>
    %swap3A_770 = vector.shape_cast %swap3A_769 : vector<1x50x256xf32> to vector<50x256xf32>
    %swap3A_771 = vector.shape_cast %slice3A_765 : vector<50x256xf32> to vector<1x50x256xf32>
    tpu.vector_store %arg3[%swap3A_766, %swap3A_767, %swap3A_768], %swap3A_771 {strides = array<i32>} : memref<128x50x256xf32, #tpu.memory_space<vmem>>, vector<1x50x256xf32>,
    %slice3A_772 = vector.extract_strided_slice %dot_general3A_10 {offsets = [6104, 0], sizes = [50, 256], strides = [1, 1]} : vector<7168x256xf32> to vector<50x256xf32>
    %swap3A_773 = arith.constant 109 : index
    %swap3A_774 = arith.constant 0 : index
    %swap3A_775 = arith.constant 0 : index
    %swap3A_776 = vector.load %arg3[%swap3A_773, %swap3A_774, %swap3A_775] : memref<128x50x256xf32, #tpu.memory_space<vmem>>, vector<1x50x256xf32>
    %swap3A_777 = vector.shape_cast %swap3A_776 : vector<1x50x256xf32> to vector<50x256xf32>
    %swap3A_778 = vector.shape_cast %slice3A_772 : vector<50x256xf32> to vector<1x50x256xf32>
    tpu.vector_store %arg3[%swap3A_773, %swap3A_774, %swap3A_775], %swap3A_778 {strides = array<i32>} : memref<128x50x256xf32, #tpu.memory_space<vmem>>, vector<1x50x256xf32>,
    %slice3A_779 = vector.extract_strided_slice %dot_general3A_10 {offsets = [6160, 0], sizes = [50, 256], strides = [1, 1]} : vector<7168x256xf32> to vector<50x256xf32>
    %swap3A_780 = arith.constant 110 : index
    %swap3A_781 = arith.constant 0 : index
    %swap3A_782 = arith.constant 0 : index
    %swap3A_783 = vector.load %arg3[%swap3A_780, %swap3A_781, %swap3A_782] : memref<128x50x256xf32, #tpu.memory_space<vmem>>, vector<1x50x256xf32>
    %swap3A_784 = vector.shape_cast %swap3A_783 : vector<1x50x256xf32> to vector<50x256xf32>
    %swap3A_785 = vector.shape_cast %slice3A_779 : vector<50x256xf32> to vector<1x50x256xf32>
    tpu.vector_store %arg3[%swap3A_780, %swap3A_781, %swap3A_782], %swap3A_785 {strides = array<i32>} : memref<128x50x256xf32, #tpu.memory_space<vmem>>, vector<1x50x256xf32>,
    %slice3A_786 = vector.extract_strided_slice %dot_general3A_10 {offsets = [6216, 0], sizes = [50, 256], strides = [1, 1]} : vector<7168x256xf32> to vector<50x256xf32>
    %swap3A_787 = arith.constant 111 : index
    %swap3A_788 = arith.constant 0 : index
    %swap3A_789 = arith.constant 0 : index
    %swap3A_790 = vector.load %arg3[%swap3A_787, %swap3A_788, %swap3A_789] : memref<128x50x256xf32, #tpu.memory_space<vmem>>, vector<1x50x256xf32>
    %swap3A_791 = vector.shape_cast %swap3A_790 : vector<1x50x256xf32> to vector<50x256xf32>
    %swap3A_792 = vector.shape_cast %slice3A_786 : vector<50x256xf32> to vector<1x50x256xf32>
    tpu.vector_store %arg3[%swap3A_787, %swap3A_788, %swap3A_789], %swap3A_792 {strides = array<i32>} : memref<128x50x256xf32, #tpu.memory_space<vmem>>, vector<1x50x256xf32>,
    %slice3A_793 = vector.extract_strided_slice %dot_general3A_10 {offsets = [6272, 0], sizes = [50, 256], strides = [1, 1]} : vector<7168x256xf32> to vector<50x256xf32>
    %swap3A_794 = arith.constant 112 : index
    %swap3A_795 = arith.constant 0 : index
    %swap3A_796 = arith.constant 0 : index
    %swap3A_797 = vector.load %arg3[%swap3A_794, %swap3A_795, %swap3A_796] : memref<128x50x256xf32, #tpu.memory_space<vmem>>, vector<1x50x256xf32>
    %swap3A_798 = vector.shape_cast %swap3A_797 : vector<1x50x256xf32> to vector<50x256xf32>
    %swap3A_799 = vector.shape_cast %slice3A_793 : vector<50x256xf32> to vector<1x50x256xf32>
    tpu.vector_store %arg3[%swap3A_794, %swap3A_795, %swap3A_796], %swap3A_799 {strides = array<i32>} : memref<128x50x256xf32, #tpu.memory_space<vmem>>, vector<1x50x256xf32>,
    %slice3A_800 = vector.extract_strided_slice %dot_general3A_10 {offsets = [6328, 0], sizes = [50, 256], strides = [1, 1]} : vector<7168x256xf32> to vector<50x256xf32>
    %swap3A_801 = arith.constant 113 : index
    %swap3A_802 = arith.constant 0 : index
    %swap3A_803 = arith.constant 0 : index
    %swap3A_804 = vector.load %arg3[%swap3A_801, %swap3A_802, %swap3A_803] : memref<128x50x256xf32, #tpu.memory_space<vmem>>, vector<1x50x256xf32>
    %swap3A_805 = vector.shape_cast %swap3A_804 : vector<1x50x256xf32> to vector<50x256xf32>
    %swap3A_806 = vector.shape_cast %slice3A_800 : vector<50x256xf32> to vector<1x50x256xf32>
    tpu.vector_store %arg3[%swap3A_801, %swap3A_802, %swap3A_803], %swap3A_806 {strides = array<i32>} : memref<128x50x256xf32, #tpu.memory_space<vmem>>, vector<1x50x256xf32>,
    %slice3A_807 = vector.extract_strided_slice %dot_general3A_10 {offsets = [6384, 0], sizes = [50, 256], strides = [1, 1]} : vector<7168x256xf32> to vector<50x256xf32>
    %swap3A_808 = arith.constant 114 : index
    %swap3A_809 = arith.constant 0 : index
    %swap3A_810 = arith.constant 0 : index
    %swap3A_811 = vector.load %arg3[%swap3A_808, %swap3A_809, %swap3A_810] : memref<128x50x256xf32, #tpu.memory_space<vmem>>, vector<1x50x256xf32>
    %swap3A_812 = vector.shape_cast %swap3A_811 : vector<1x50x256xf32> to vector<50x256xf32>
    %swap3A_813 = vector.shape_cast %slice3A_807 : vector<50x256xf32> to vector<1x50x256xf32>
    tpu.vector_store %arg3[%swap3A_808, %swap3A_809, %swap3A_810], %swap3A_813 {strides = array<i32>} : memref<128x50x256xf32, #tpu.memory_space<vmem>>, vector<1x50x256xf32>,
    %slice3A_814 = vector.extract_strided_slice %dot_general3A_10 {offsets = [6440, 0], sizes = [50, 256], strides = [1, 1]} : vector<7168x256xf32> to vector<50x256xf32>
    %swap3A_815 = arith.constant 115 : index
    %swap3A_816 = arith.constant 0 : index
    %swap3A_817 = arith.constant 0 : index
    %swap3A_818 = vector.load %arg3[%swap3A_815, %swap3A_816, %swap3A_817] : memref<128x50x256xf32, #tpu.memory_space<vmem>>, vector<1x50x256xf32>
    %swap3A_819 = vector.shape_cast %swap3A_818 : vector<1x50x256xf32> to vector<50x256xf32>
    %swap3A_820 = vector.shape_cast %slice3A_814 : vector<50x256xf32> to vector<1x50x256xf32>
    tpu.vector_store %arg3[%swap3A_815, %swap3A_816, %swap3A_817], %swap3A_820 {strides = array<i32>} : memref<128x50x256xf32, #tpu.memory_space<vmem>>, vector<1x50x256xf32>,
    %slice3A_821 = vector.extract_strided_slice %dot_general3A_10 {offsets = [6496, 0], sizes = [50, 256], strides = [1, 1]} : vector<7168x256xf32> to vector<50x256xf32>
    %swap3A_822 = arith.constant 116 : index
    %swap3A_823 = arith.constant 0 : index
    %swap3A_824 = arith.constant 0 : index
    %swap3A_825 = vector.load %arg3[%swap3A_822, %swap3A_823, %swap3A_824] : memref<128x50x256xf32, #tpu.memory_space<vmem>>, vector<1x50x256xf32>
    %swap3A_826 = vector.shape_cast %swap3A_825 : vector<1x50x256xf32> to vector<50x256xf32>
    %swap3A_827 = vector.shape_cast %slice3A_821 : vector<50x256xf32> to vector<1x50x256xf32>
    tpu.vector_store %arg3[%swap3A_822, %swap3A_823, %swap3A_824], %swap3A_827 {strides = array<i32>} : memref<128x50x256xf32, #tpu.memory_space<vmem>>, vector<1x50x256xf32>,
    %slice3A_828 = vector.extract_strided_slice %dot_general3A_10 {offsets = [6552, 0], sizes = [50, 256], strides = [1, 1]} : vector<7168x256xf32> to vector<50x256xf32>
    %swap3A_829 = arith.constant 117 : index
    %swap3A_830 = arith.constant 0 : index
    %swap3A_831 = arith.constant 0 : index
    %swap3A_832 = vector.load %arg3[%swap3A_829, %swap3A_830, %swap3A_831] : memref<128x50x256xf32, #tpu.memory_space<vmem>>, vector<1x50x256xf32>
    %swap3A_833 = vector.shape_cast %swap3A_832 : vector<1x50x256xf32> to vector<50x256xf32>
    %swap3A_834 = vector.shape_cast %slice3A_828 : vector<50x256xf32> to vector<1x50x256xf32>
    tpu.vector_store %arg3[%swap3A_829, %swap3A_830, %swap3A_831], %swap3A_834 {strides = array<i32>} : memref<128x50x256xf32, #tpu.memory_space<vmem>>, vector<1x50x256xf32>,
    %slice3A_835 = vector.extract_strided_slice %dot_general3A_10 {offsets = [6608, 0], sizes = [50, 256], strides = [1, 1]} : vector<7168x256xf32> to vector<50x256xf32>
    %swap3A_836 = arith.constant 118 : index
    %swap3A_837 = arith.constant 0 : index
    %swap3A_838 = arith.constant 0 : index
    %swap3A_839 = vector.load %arg3[%swap3A_836, %swap3A_837, %swap3A_838] : memref<128x50x256xf32, #tpu.memory_space<vmem>>, vector<1x50x256xf32>
    %swap3A_840 = vector.shape_cast %swap3A_839 : vector<1x50x256xf32> to vector<50x256xf32>
    %swap3A_841 = vector.shape_cast %slice3A_835 : vector<50x256xf32> to vector<1x50x256xf32>
    tpu.vector_store %arg3[%swap3A_836, %swap3A_837, %swap3A_838], %swap3A_841 {strides = array<i32>} : memref<128x50x256xf32, #tpu.memory_space<vmem>>, vector<1x50x256xf32>,
    %slice3A_842 = vector.extract_strided_slice %dot_general3A_10 {offsets = [6664, 0], sizes = [50, 256], strides = [1, 1]} : vector<7168x256xf32> to vector<50x256xf32>
    %swap3A_843 = arith.constant 119 : index
    %swap3A_844 = arith.constant 0 : index
    %swap3A_845 = arith.constant 0 : index
    %swap3A_846 = vector.load %arg3[%swap3A_843, %swap3A_844, %swap3A_845] : memref<128x50x256xf32, #tpu.memory_space<vmem>>, vector<1x50x256xf32>
    %swap3A_847 = vector.shape_cast %swap3A_846 : vector<1x50x256xf32> to vector<50x256xf32>
    %swap3A_848 = vector.shape_cast %slice3A_842 : vector<50x256xf32> to vector<1x50x256xf32>
    tpu.vector_store %arg3[%swap3A_843, %swap3A_844, %swap3A_845], %swap3A_848 {strides = array<i32>} : memref<128x50x256xf32, #tpu.memory_space<vmem>>, vector<1x50x256xf32>,
    %slice3A_849 = vector.extract_strided_slice %dot_general3A_10 {offsets = [6720, 0], sizes = [50, 256], strides = [1, 1]} : vector<7168x256xf32> to vector<50x256xf32>
    %swap3A_850 = arith.constant 120 : index
    %swap3A_851 = arith.constant 0 : index
    %swap3A_852 = arith.constant 0 : index
    %swap3A_853 = vector.load %arg3[%swap3A_850, %swap3A_851, %swap3A_852] : memref<128x50x256xf32, #tpu.memory_space<vmem>>, vector<1x50x256xf32>
    %swap3A_854 = vector.shape_cast %swap3A_853 : vector<1x50x256xf32> to vector<50x256xf32>
    %swap3A_855 = vector.shape_cast %slice3A_849 : vector<50x256xf32> to vector<1x50x256xf32>
    tpu.vector_store %arg3[%swap3A_850, %swap3A_851, %swap3A_852], %swap3A_855 {strides = array<i32>} : memref<128x50x256xf32, #tpu.memory_space<vmem>>, vector<1x50x256xf32>,
    %slice3A_856 = vector.extract_strided_slice %dot_general3A_10 {offsets = [6776, 0], sizes = [50, 256], strides = [1, 1]} : vector<7168x256xf32> to vector<50x256xf32>
    %swap3A_857 = arith.constant 121 : index
    %swap3A_858 = arith.constant 0 : index
    %swap3A_859 = arith.constant 0 : index
    %swap3A_860 = vector.load %arg3[%swap3A_857, %swap3A_858, %swap3A_859] : memref<128x50x256xf32, #tpu.memory_space<vmem>>, vector<1x50x256xf32>
    %swap3A_861 = vector.shape_cast %swap3A_860 : vector<1x50x256xf32> to vector<50x256xf32>
    %swap3A_862 = vector.shape_cast %slice3A_856 : vector<50x256xf32> to vector<1x50x256xf32>
    tpu.vector_store %arg3[%swap3A_857, %swap3A_858, %swap3A_859], %swap3A_862 {strides = array<i32>} : memref<128x50x256xf32, #tpu.memory_space<vmem>>, vector<1x50x256xf32>,
    %slice3A_863 = vector.extract_strided_slice %dot_general3A_10 {offsets = [6832, 0], sizes = [50, 256], strides = [1, 1]} : vector<7168x256xf32> to vector<50x256xf32>
    %swap3A_864 = arith.constant 122 : index
    %swap3A_865 = arith.constant 0 : index
    %swap3A_866 = arith.constant 0 : index
    %swap3A_867 = vector.load %arg3[%swap3A_864, %swap3A_865, %swap3A_866] : memref<128x50x256xf32, #tpu.memory_space<vmem>>, vector<1x50x256xf32>
    %swap3A_868 = vector.shape_cast %swap3A_867 : vector<1x50x256xf32> to vector<50x256xf32>
    %swap3A_869 = vector.shape_cast %slice3A_863 : vector<50x256xf32> to vector<1x50x256xf32>
    tpu.vector_store %arg3[%swap3A_864, %swap3A_865, %swap3A_866], %swap3A_869 {strides = array<i32>} : memref<128x50x256xf32, #tpu.memory_space<vmem>>, vector<1x50x256xf32>,
    %slice3A_870 = vector.extract_strided_slice %dot_general3A_10 {offsets = [6888, 0], sizes = [50, 256], strides = [1, 1]} : vector<7168x256xf32> to vector<50x256xf32>
    %swap3A_871 = arith.constant 123 : index
    %swap3A_872 = arith.constant 0 : index
    %swap3A_873 = arith.constant 0 : index
    %swap3A_874 = vector.load %arg3[%swap3A_871, %swap3A_872, %swap3A_873] : memref<128x50x256xf32, #tpu.memory_space<vmem>>, vector<1x50x256xf32>
    %swap3A_875 = vector.shape_cast %swap3A_874 : vector<1x50x256xf32> to vector<50x256xf32>
    %swap3A_876 = vector.shape_cast %slice3A_870 : vector<50x256xf32> to vector<1x50x256xf32>
    tpu.vector_store %arg3[%swap3A_871, %swap3A_872, %swap3A_873], %swap3A_876 {strides = array<i32>} : memref<128x50x256xf32, #tpu.memory_space<vmem>>, vector<1x50x256xf32>,
    %slice3A_877 = vector.extract_strided_slice %dot_general3A_10 {offsets = [6944, 0], sizes = [50, 256], strides = [1, 1]} : vector<7168x256xf32> to vector<50x256xf32>
    %swap3A_878 = arith.constant 124 : index
    %swap3A_879 = arith.constant 0 : index
    %swap3A_880 = arith.constant 0 : index
    %swap3A_881 = vector.load %arg3[%swap3A_878, %swap3A_879, %swap3A_880] : memref<128x50x256xf32, #tpu.memory_space<vmem>>, vector<1x50x256xf32>
    %swap3A_882 = vector.shape_cast %swap3A_881 : vector<1x50x256xf32> to vector<50x256xf32>
    %swap3A_883 = vector.shape_cast %slice3A_877 : vector<50x256xf32> to vector<1x50x256xf32>
    tpu.vector_store %arg3[%swap3A_878, %swap3A_879, %swap3A_880], %swap3A_883 {strides = array<i32>} : memref<128x50x256xf32, #tpu.memory_space<vmem>>, vector<1x50x256xf32>,
    %slice3A_884 = vector.extract_strided_slice %dot_general3A_10 {offsets = [7000, 0], sizes = [50, 256], strides = [1, 1]} : vector<7168x256xf32> to vector<50x256xf32>
    %swap3A_885 = arith.constant 125 : index
    %swap3A_886 = arith.constant 0 : index
    %swap3A_887 = arith.constant 0 : index
    %swap3A_888 = vector.load %arg3[%swap3A_885, %swap3A_886, %swap3A_887] : memref<128x50x256xf32, #tpu.memory_space<vmem>>, vector<1x50x256xf32>
    %swap3A_889 = vector.shape_cast %swap3A_888 : vector<1x50x256xf32> to vector<50x256xf32>
    %swap3A_890 = vector.shape_cast %slice3A_884 : vector<50x256xf32> to vector<1x50x256xf32>
    tpu.vector_store %arg3[%swap3A_885, %swap3A_886, %swap3A_887], %swap3A_890 {strides = array<i32>} : memref<128x50x256xf32, #tpu.memory_space<vmem>>, vector<1x50x256xf32>,
    %slice3A_891 = vector.extract_strided_slice %dot_general3A_10 {offsets = [7056, 0], sizes = [50, 256], strides = [1, 1]} : vector<7168x256xf32> to vector<50x256xf32>
    %swap3A_892 = arith.constant 126 : index
    %swap3A_893 = arith.constant 0 : index
    %swap3A_894 = arith.constant 0 : index
    %swap3A_895 = vector.load %arg3[%swap3A_892, %swap3A_893, %swap3A_894] : memref<128x50x256xf32, #tpu.memory_space<vmem>>, vector<1x50x256xf32>
    %swap3A_896 = vector.shape_cast %swap3A_895 : vector<1x50x256xf32> to vector<50x256xf32>
    %swap3A_897 = vector.shape_cast %slice3A_891 : vector<50x256xf32> to vector<1x50x256xf32>
    tpu.vector_store %arg3[%swap3A_892, %swap3A_893, %swap3A_894], %swap3A_897 {strides = array<i32>} : memref<128x50x256xf32, #tpu.memory_space<vmem>>, vector<1x50x256xf32>,
    %slice3A_898 = vector.extract_strided_slice %dot_general3A_10 {offsets = [7112, 0], sizes = [50, 256], strides = [1, 1]} : vector<7168x256xf32> to vector<50x256xf32>
    %swap3A_899 = arith.constant 127 : index
    %swap3A_900 = arith.constant 0 : index
    %swap3A_901 = arith.constant 0 : index
    %swap3A_902 = vector.load %arg3[%swap3A_899, %swap3A_900, %swap3A_901] : memref<128x50x256xf32, #tpu.memory_space<vmem>>, vector<1x50x256xf32>
    %swap3A_903 = vector.shape_cast %swap3A_902 : vector<1x50x256xf32> to vector<50x256xf32>
    %swap3A_904 = vector.shape_cast %slice3A_898 : vector<50x256xf32> to vector<1x50x256xf32>
    tpu.vector_store %arg3[%swap3A_899, %swap3A_900, %swap3A_901], %swap3A_904 {strides = array<i32>} : memref<128x50x256xf32, #tpu.memory_space<vmem>>, vector<1x50x256xf32>,
    return
  }
  func.func @transform_0(%arg0: i32) -> (i32, i32, i32) {
    %add3A = arith.constant 1 : i32
    %add3A_0 = arith.addi %add3A, %arg0 : i32
    %c0_i32 = arith.constant 0 : i32
    %c0_i32_1 = arith.constant 0 : i32
    %c0_i32_2 = arith.constant 0 : i32
    return %add3A_0, %c0_i32, %c0_i32_1 : i32, i32, i32
  }
  func.func @transform_1(%arg0: i32) -> (i32, i32) {
    %c0_i32 = arith.constant 0 : i32
    %c0_i32_0 = arith.constant 0 : i32
    %c0_i32_1 = arith.constant 0 : i32
    return %c0_i32, %c0_i32_0 : i32, i32
  }
  func.func @transform_2(%arg0: i32) -> (i32, i32, i32) {
    %add3A = arith.constant 1 : i32
    %add3A_0 = arith.addi %add3A, %arg0 : i32
    %c0_i32 = arith.constant 0 : i32
    %c0_i32_1 = arith.constant 0 : i32
    %c0_i32_2 = arith.constant 0 : i32
    return %add3A_0, %c0_i32, %c0_i32_1 : i32, i32, i32
  }
}

module attributes {stable_mosaic.version = 14 : i64} {
  func.func @_merge_body(%arg0: i32, %arg1: memref<1792x256xf32, #tpu.memory_space<vmem>>, %arg2: memref<4096x50x256xf32, #tpu.memory_space<any>>, %arg3: memref<32x50x256xf32, #tpu.memory_space<vmem>>) attributes {dimension_semantics = [#tpu.dimension_semantics<arbitrary>], iteration_bounds = array<i64: 4>, scalar_prefetch = 0 : i64, scratch_operands = 0 : i64, tpu.core_type = #tpu.core_type<tc>, window_params = [{transform_indices = @transform_0, window_bounds = array<i64: 1792, 256>}, {}, {transform_indices = @transform_2, window_bounds = array<i64: 32, 50, 256>}]} {
    %get3A = arith.constant 0 : index
    %get3A_0 = arith.constant 0 : index
    %get3A_1 = vector.load %arg1[%get3A, %get3A_0] : memref<1792x256xf32, #tpu.memory_space<vmem>>, vector<1792x256xf32>
    %slice3A = vector.extract_strided_slice %get3A_1 {offsets = [0, 0], sizes = [50, 256], strides = [1, 1]} : vector<1792x256xf32> to vector<50x256xf32>
    %swap3A = arith.constant 0 : index
    %swap3A_2 = arith.constant 0 : index
    %swap3A_3 = arith.constant 0 : index
    %swap3A_4 = vector.load %arg3[%swap3A, %swap3A_2, %swap3A_3] : memref<32x50x256xf32, #tpu.memory_space<vmem>>, vector<1x50x256xf32>
    %swap3A_5 = vector.shape_cast %swap3A_4 : vector<1x50x256xf32> to vector<50x256xf32>
    %swap3A_6 = vector.shape_cast %slice3A : vector<50x256xf32> to vector<1x50x256xf32>
    tpu.vector_store %arg3[%swap3A, %swap3A_2, %swap3A_3], %swap3A_6 {strides = array<i32>} : memref<32x50x256xf32, #tpu.memory_space<vmem>>, vector<1x50x256xf32>,
    %slice3A_7 = vector.extract_strided_slice %get3A_1 {offsets = [56, 0], sizes = [50, 256], strides = [1, 1]} : vector<1792x256xf32> to vector<50x256xf32>
    %swap3A_8 = arith.constant 1 : index
    %swap3A_9 = arith.constant 0 : index
    %swap3A_10 = arith.constant 0 : index
    %swap3A_11 = vector.load %arg3[%swap3A_8, %swap3A_9, %swap3A_10] : memref<32x50x256xf32, #tpu.memory_space<vmem>>, vector<1x50x256xf32>
    %swap3A_12 = vector.shape_cast %swap3A_11 : vector<1x50x256xf32> to vector<50x256xf32>
    %swap3A_13 = vector.shape_cast %slice3A_7 : vector<50x256xf32> to vector<1x50x256xf32>
    tpu.vector_store %arg3[%swap3A_8, %swap3A_9, %swap3A_10], %swap3A_13 {strides = array<i32>} : memref<32x50x256xf32, #tpu.memory_space<vmem>>, vector<1x50x256xf32>,
    %slice3A_14 = vector.extract_strided_slice %get3A_1 {offsets = [112, 0], sizes = [50, 256], strides = [1, 1]} : vector<1792x256xf32> to vector<50x256xf32>
    %swap3A_15 = arith.constant 2 : index
    %swap3A_16 = arith.constant 0 : index
    %swap3A_17 = arith.constant 0 : index
    %swap3A_18 = vector.load %arg3[%swap3A_15, %swap3A_16, %swap3A_17] : memref<32x50x256xf32, #tpu.memory_space<vmem>>, vector<1x50x256xf32>
    %swap3A_19 = vector.shape_cast %swap3A_18 : vector<1x50x256xf32> to vector<50x256xf32>
    %swap3A_20 = vector.shape_cast %slice3A_14 : vector<50x256xf32> to vector<1x50x256xf32>
    tpu.vector_store %arg3[%swap3A_15, %swap3A_16, %swap3A_17], %swap3A_20 {strides = array<i32>} : memref<32x50x256xf32, #tpu.memory_space<vmem>>, vector<1x50x256xf32>,
    %slice3A_21 = vector.extract_strided_slice %get3A_1 {offsets = [168, 0], sizes = [50, 256], strides = [1, 1]} : vector<1792x256xf32> to vector<50x256xf32>
    %swap3A_22 = arith.constant 3 : index
    %swap3A_23 = arith.constant 0 : index
    %swap3A_24 = arith.constant 0 : index
    %swap3A_25 = vector.load %arg3[%swap3A_22, %swap3A_23, %swap3A_24] : memref<32x50x256xf32, #tpu.memory_space<vmem>>, vector<1x50x256xf32>
    %swap3A_26 = vector.shape_cast %swap3A_25 : vector<1x50x256xf32> to vector<50x256xf32>
    %swap3A_27 = vector.shape_cast %slice3A_21 : vector<50x256xf32> to vector<1x50x256xf32>
    tpu.vector_store %arg3[%swap3A_22, %swap3A_23, %swap3A_24], %swap3A_27 {strides = array<i32>} : memref<32x50x256xf32, #tpu.memory_space<vmem>>, vector<1x50x256xf32>,
    %slice3A_28 = vector.extract_strided_slice %get3A_1 {offsets = [224, 0], sizes = [50, 256], strides = [1, 1]} : vector<1792x256xf32> to vector<50x256xf32>
    %swap3A_29 = arith.constant 4 : index
    %swap3A_30 = arith.constant 0 : index
    %swap3A_31 = arith.constant 0 : index
    %swap3A_32 = vector.load %arg3[%swap3A_29, %swap3A_30, %swap3A_31] : memref<32x50x256xf32, #tpu.memory_space<vmem>>, vector<1x50x256xf32>
    %swap3A_33 = vector.shape_cast %swap3A_32 : vector<1x50x256xf32> to vector<50x256xf32>
    %swap3A_34 = vector.shape_cast %slice3A_28 : vector<50x256xf32> to vector<1x50x256xf32>
    tpu.vector_store %arg3[%swap3A_29, %swap3A_30, %swap3A_31], %swap3A_34 {strides = array<i32>} : memref<32x50x256xf32, #tpu.memory_space<vmem>>, vector<1x50x256xf32>,
    %slice3A_35 = vector.extract_strided_slice %get3A_1 {offsets = [280, 0], sizes = [50, 256], strides = [1, 1]} : vector<1792x256xf32> to vector<50x256xf32>
    %swap3A_36 = arith.constant 5 : index
    %swap3A_37 = arith.constant 0 : index
    %swap3A_38 = arith.constant 0 : index
    %swap3A_39 = vector.load %arg3[%swap3A_36, %swap3A_37, %swap3A_38] : memref<32x50x256xf32, #tpu.memory_space<vmem>>, vector<1x50x256xf32>
    %swap3A_40 = vector.shape_cast %swap3A_39 : vector<1x50x256xf32> to vector<50x256xf32>
    %swap3A_41 = vector.shape_cast %slice3A_35 : vector<50x256xf32> to vector<1x50x256xf32>
    tpu.vector_store %arg3[%swap3A_36, %swap3A_37, %swap3A_38], %swap3A_41 {strides = array<i32>} : memref<32x50x256xf32, #tpu.memory_space<vmem>>, vector<1x50x256xf32>,
    %slice3A_42 = vector.extract_strided_slice %get3A_1 {offsets = [336, 0], sizes = [50, 256], strides = [1, 1]} : vector<1792x256xf32> to vector<50x256xf32>
    %swap3A_43 = arith.constant 6 : index
    %swap3A_44 = arith.constant 0 : index
    %swap3A_45 = arith.constant 0 : index
    %swap3A_46 = vector.load %arg3[%swap3A_43, %swap3A_44, %swap3A_45] : memref<32x50x256xf32, #tpu.memory_space<vmem>>, vector<1x50x256xf32>
    %swap3A_47 = vector.shape_cast %swap3A_46 : vector<1x50x256xf32> to vector<50x256xf32>
    %swap3A_48 = vector.shape_cast %slice3A_42 : vector<50x256xf32> to vector<1x50x256xf32>
    tpu.vector_store %arg3[%swap3A_43, %swap3A_44, %swap3A_45], %swap3A_48 {strides = array<i32>} : memref<32x50x256xf32, #tpu.memory_space<vmem>>, vector<1x50x256xf32>,
    %slice3A_49 = vector.extract_strided_slice %get3A_1 {offsets = [392, 0], sizes = [50, 256], strides = [1, 1]} : vector<1792x256xf32> to vector<50x256xf32>
    %swap3A_50 = arith.constant 7 : index
    %swap3A_51 = arith.constant 0 : index
    %swap3A_52 = arith.constant 0 : index
    %swap3A_53 = vector.load %arg3[%swap3A_50, %swap3A_51, %swap3A_52] : memref<32x50x256xf32, #tpu.memory_space<vmem>>, vector<1x50x256xf32>
    %swap3A_54 = vector.shape_cast %swap3A_53 : vector<1x50x256xf32> to vector<50x256xf32>
    %swap3A_55 = vector.shape_cast %slice3A_49 : vector<50x256xf32> to vector<1x50x256xf32>
    tpu.vector_store %arg3[%swap3A_50, %swap3A_51, %swap3A_52], %swap3A_55 {strides = array<i32>} : memref<32x50x256xf32, #tpu.memory_space<vmem>>, vector<1x50x256xf32>,
    %slice3A_56 = vector.extract_strided_slice %get3A_1 {offsets = [448, 0], sizes = [50, 256], strides = [1, 1]} : vector<1792x256xf32> to vector<50x256xf32>
    %swap3A_57 = arith.constant 8 : index
    %swap3A_58 = arith.constant 0 : index
    %swap3A_59 = arith.constant 0 : index
    %swap3A_60 = vector.load %arg3[%swap3A_57, %swap3A_58, %swap3A_59] : memref<32x50x256xf32, #tpu.memory_space<vmem>>, vector<1x50x256xf32>
    %swap3A_61 = vector.shape_cast %swap3A_60 : vector<1x50x256xf32> to vector<50x256xf32>
    %swap3A_62 = vector.shape_cast %slice3A_56 : vector<50x256xf32> to vector<1x50x256xf32>
    tpu.vector_store %arg3[%swap3A_57, %swap3A_58, %swap3A_59], %swap3A_62 {strides = array<i32>} : memref<32x50x256xf32, #tpu.memory_space<vmem>>, vector<1x50x256xf32>,
    %slice3A_63 = vector.extract_strided_slice %get3A_1 {offsets = [504, 0], sizes = [50, 256], strides = [1, 1]} : vector<1792x256xf32> to vector<50x256xf32>
    %swap3A_64 = arith.constant 9 : index
    %swap3A_65 = arith.constant 0 : index
    %swap3A_66 = arith.constant 0 : index
    %swap3A_67 = vector.load %arg3[%swap3A_64, %swap3A_65, %swap3A_66] : memref<32x50x256xf32, #tpu.memory_space<vmem>>, vector<1x50x256xf32>
    %swap3A_68 = vector.shape_cast %swap3A_67 : vector<1x50x256xf32> to vector<50x256xf32>
    %swap3A_69 = vector.shape_cast %slice3A_63 : vector<50x256xf32> to vector<1x50x256xf32>
    tpu.vector_store %arg3[%swap3A_64, %swap3A_65, %swap3A_66], %swap3A_69 {strides = array<i32>} : memref<32x50x256xf32, #tpu.memory_space<vmem>>, vector<1x50x256xf32>,
    %slice3A_70 = vector.extract_strided_slice %get3A_1 {offsets = [560, 0], sizes = [50, 256], strides = [1, 1]} : vector<1792x256xf32> to vector<50x256xf32>
    %swap3A_71 = arith.constant 10 : index
    %swap3A_72 = arith.constant 0 : index
    %swap3A_73 = arith.constant 0 : index
    %swap3A_74 = vector.load %arg3[%swap3A_71, %swap3A_72, %swap3A_73] : memref<32x50x256xf32, #tpu.memory_space<vmem>>, vector<1x50x256xf32>
    %swap3A_75 = vector.shape_cast %swap3A_74 : vector<1x50x256xf32> to vector<50x256xf32>
    %swap3A_76 = vector.shape_cast %slice3A_70 : vector<50x256xf32> to vector<1x50x256xf32>
    tpu.vector_store %arg3[%swap3A_71, %swap3A_72, %swap3A_73], %swap3A_76 {strides = array<i32>} : memref<32x50x256xf32, #tpu.memory_space<vmem>>, vector<1x50x256xf32>,
    %slice3A_77 = vector.extract_strided_slice %get3A_1 {offsets = [616, 0], sizes = [50, 256], strides = [1, 1]} : vector<1792x256xf32> to vector<50x256xf32>
    %swap3A_78 = arith.constant 11 : index
    %swap3A_79 = arith.constant 0 : index
    %swap3A_80 = arith.constant 0 : index
    %swap3A_81 = vector.load %arg3[%swap3A_78, %swap3A_79, %swap3A_80] : memref<32x50x256xf32, #tpu.memory_space<vmem>>, vector<1x50x256xf32>
    %swap3A_82 = vector.shape_cast %swap3A_81 : vector<1x50x256xf32> to vector<50x256xf32>
    %swap3A_83 = vector.shape_cast %slice3A_77 : vector<50x256xf32> to vector<1x50x256xf32>
    tpu.vector_store %arg3[%swap3A_78, %swap3A_79, %swap3A_80], %swap3A_83 {strides = array<i32>} : memref<32x50x256xf32, #tpu.memory_space<vmem>>, vector<1x50x256xf32>,
    %slice3A_84 = vector.extract_strided_slice %get3A_1 {offsets = [672, 0], sizes = [50, 256], strides = [1, 1]} : vector<1792x256xf32> to vector<50x256xf32>
    %swap3A_85 = arith.constant 12 : index
    %swap3A_86 = arith.constant 0 : index
    %swap3A_87 = arith.constant 0 : index
    %swap3A_88 = vector.load %arg3[%swap3A_85, %swap3A_86, %swap3A_87] : memref<32x50x256xf32, #tpu.memory_space<vmem>>, vector<1x50x256xf32>
    %swap3A_89 = vector.shape_cast %swap3A_88 : vector<1x50x256xf32> to vector<50x256xf32>
    %swap3A_90 = vector.shape_cast %slice3A_84 : vector<50x256xf32> to vector<1x50x256xf32>
    tpu.vector_store %arg3[%swap3A_85, %swap3A_86, %swap3A_87], %swap3A_90 {strides = array<i32>} : memref<32x50x256xf32, #tpu.memory_space<vmem>>, vector<1x50x256xf32>,
    %slice3A_91 = vector.extract_strided_slice %get3A_1 {offsets = [728, 0], sizes = [50, 256], strides = [1, 1]} : vector<1792x256xf32> to vector<50x256xf32>
    %swap3A_92 = arith.constant 13 : index
    %swap3A_93 = arith.constant 0 : index
    %swap3A_94 = arith.constant 0 : index
    %swap3A_95 = vector.load %arg3[%swap3A_92, %swap3A_93, %swap3A_94] : memref<32x50x256xf32, #tpu.memory_space<vmem>>, vector<1x50x256xf32>
    %swap3A_96 = vector.shape_cast %swap3A_95 : vector<1x50x256xf32> to vector<50x256xf32>
    %swap3A_97 = vector.shape_cast %slice3A_91 : vector<50x256xf32> to vector<1x50x256xf32>
    tpu.vector_store %arg3[%swap3A_92, %swap3A_93, %swap3A_94], %swap3A_97 {strides = array<i32>} : memref<32x50x256xf32, #tpu.memory_space<vmem>>, vector<1x50x256xf32>,
    %slice3A_98 = vector.extract_strided_slice %get3A_1 {offsets = [784, 0], sizes = [50, 256], strides = [1, 1]} : vector<1792x256xf32> to vector<50x256xf32>
    %swap3A_99 = arith.constant 14 : index
    %swap3A_100 = arith.constant 0 : index
    %swap3A_101 = arith.constant 0 : index
    %swap3A_102 = vector.load %arg3[%swap3A_99, %swap3A_100, %swap3A_101] : memref<32x50x256xf32, #tpu.memory_space<vmem>>, vector<1x50x256xf32>
    %swap3A_103 = vector.shape_cast %swap3A_102 : vector<1x50x256xf32> to vector<50x256xf32>
    %swap3A_104 = vector.shape_cast %slice3A_98 : vector<50x256xf32> to vector<1x50x256xf32>
    tpu.vector_store %arg3[%swap3A_99, %swap3A_100, %swap3A_101], %swap3A_104 {strides = array<i32>} : memref<32x50x256xf32, #tpu.memory_space<vmem>>, vector<1x50x256xf32>,
    %slice3A_105 = vector.extract_strided_slice %get3A_1 {offsets = [840, 0], sizes = [50, 256], strides = [1, 1]} : vector<1792x256xf32> to vector<50x256xf32>
    %swap3A_106 = arith.constant 15 : index
    %swap3A_107 = arith.constant 0 : index
    %swap3A_108 = arith.constant 0 : index
    %swap3A_109 = vector.load %arg3[%swap3A_106, %swap3A_107, %swap3A_108] : memref<32x50x256xf32, #tpu.memory_space<vmem>>, vector<1x50x256xf32>
    %swap3A_110 = vector.shape_cast %swap3A_109 : vector<1x50x256xf32> to vector<50x256xf32>
    %swap3A_111 = vector.shape_cast %slice3A_105 : vector<50x256xf32> to vector<1x50x256xf32>
    tpu.vector_store %arg3[%swap3A_106, %swap3A_107, %swap3A_108], %swap3A_111 {strides = array<i32>} : memref<32x50x256xf32, #tpu.memory_space<vmem>>, vector<1x50x256xf32>,
    %slice3A_112 = vector.extract_strided_slice %get3A_1 {offsets = [896, 0], sizes = [50, 256], strides = [1, 1]} : vector<1792x256xf32> to vector<50x256xf32>
    %swap3A_113 = arith.constant 16 : index
    %swap3A_114 = arith.constant 0 : index
    %swap3A_115 = arith.constant 0 : index
    %swap3A_116 = vector.load %arg3[%swap3A_113, %swap3A_114, %swap3A_115] : memref<32x50x256xf32, #tpu.memory_space<vmem>>, vector<1x50x256xf32>
    %swap3A_117 = vector.shape_cast %swap3A_116 : vector<1x50x256xf32> to vector<50x256xf32>
    %swap3A_118 = vector.shape_cast %slice3A_112 : vector<50x256xf32> to vector<1x50x256xf32>
    tpu.vector_store %arg3[%swap3A_113, %swap3A_114, %swap3A_115], %swap3A_118 {strides = array<i32>} : memref<32x50x256xf32, #tpu.memory_space<vmem>>, vector<1x50x256xf32>,
    %slice3A_119 = vector.extract_strided_slice %get3A_1 {offsets = [952, 0], sizes = [50, 256], strides = [1, 1]} : vector<1792x256xf32> to vector<50x256xf32>
    %swap3A_120 = arith.constant 17 : index
    %swap3A_121 = arith.constant 0 : index
    %swap3A_122 = arith.constant 0 : index
    %swap3A_123 = vector.load %arg3[%swap3A_120, %swap3A_121, %swap3A_122] : memref<32x50x256xf32, #tpu.memory_space<vmem>>, vector<1x50x256xf32>
    %swap3A_124 = vector.shape_cast %swap3A_123 : vector<1x50x256xf32> to vector<50x256xf32>
    %swap3A_125 = vector.shape_cast %slice3A_119 : vector<50x256xf32> to vector<1x50x256xf32>
    tpu.vector_store %arg3[%swap3A_120, %swap3A_121, %swap3A_122], %swap3A_125 {strides = array<i32>} : memref<32x50x256xf32, #tpu.memory_space<vmem>>, vector<1x50x256xf32>,
    %slice3A_126 = vector.extract_strided_slice %get3A_1 {offsets = [1008, 0], sizes = [50, 256], strides = [1, 1]} : vector<1792x256xf32> to vector<50x256xf32>
    %swap3A_127 = arith.constant 18 : index
    %swap3A_128 = arith.constant 0 : index
    %swap3A_129 = arith.constant 0 : index
    %swap3A_130 = vector.load %arg3[%swap3A_127, %swap3A_128, %swap3A_129] : memref<32x50x256xf32, #tpu.memory_space<vmem>>, vector<1x50x256xf32>
    %swap3A_131 = vector.shape_cast %swap3A_130 : vector<1x50x256xf32> to vector<50x256xf32>
    %swap3A_132 = vector.shape_cast %slice3A_126 : vector<50x256xf32> to vector<1x50x256xf32>
    tpu.vector_store %arg3[%swap3A_127, %swap3A_128, %swap3A_129], %swap3A_132 {strides = array<i32>} : memref<32x50x256xf32, #tpu.memory_space<vmem>>, vector<1x50x256xf32>,
    %slice3A_133 = vector.extract_strided_slice %get3A_1 {offsets = [1064, 0], sizes = [50, 256], strides = [1, 1]} : vector<1792x256xf32> to vector<50x256xf32>
    %swap3A_134 = arith.constant 19 : index
    %swap3A_135 = arith.constant 0 : index
    %swap3A_136 = arith.constant 0 : index
    %swap3A_137 = vector.load %arg3[%swap3A_134, %swap3A_135, %swap3A_136] : memref<32x50x256xf32, #tpu.memory_space<vmem>>, vector<1x50x256xf32>
    %swap3A_138 = vector.shape_cast %swap3A_137 : vector<1x50x256xf32> to vector<50x256xf32>
    %swap3A_139 = vector.shape_cast %slice3A_133 : vector<50x256xf32> to vector<1x50x256xf32>
    tpu.vector_store %arg3[%swap3A_134, %swap3A_135, %swap3A_136], %swap3A_139 {strides = array<i32>} : memref<32x50x256xf32, #tpu.memory_space<vmem>>, vector<1x50x256xf32>,
    %slice3A_140 = vector.extract_strided_slice %get3A_1 {offsets = [1120, 0], sizes = [50, 256], strides = [1, 1]} : vector<1792x256xf32> to vector<50x256xf32>
    %swap3A_141 = arith.constant 20 : index
    %swap3A_142 = arith.constant 0 : index
    %swap3A_143 = arith.constant 0 : index
    %swap3A_144 = vector.load %arg3[%swap3A_141, %swap3A_142, %swap3A_143] : memref<32x50x256xf32, #tpu.memory_space<vmem>>, vector<1x50x256xf32>
    %swap3A_145 = vector.shape_cast %swap3A_144 : vector<1x50x256xf32> to vector<50x256xf32>
    %swap3A_146 = vector.shape_cast %slice3A_140 : vector<50x256xf32> to vector<1x50x256xf32>
    tpu.vector_store %arg3[%swap3A_141, %swap3A_142, %swap3A_143], %swap3A_146 {strides = array<i32>} : memref<32x50x256xf32, #tpu.memory_space<vmem>>, vector<1x50x256xf32>,
    %slice3A_147 = vector.extract_strided_slice %get3A_1 {offsets = [1176, 0], sizes = [50, 256], strides = [1, 1]} : vector<1792x256xf32> to vector<50x256xf32>
    %swap3A_148 = arith.constant 21 : index
    %swap3A_149 = arith.constant 0 : index
    %swap3A_150 = arith.constant 0 : index
    %swap3A_151 = vector.load %arg3[%swap3A_148, %swap3A_149, %swap3A_150] : memref<32x50x256xf32, #tpu.memory_space<vmem>>, vector<1x50x256xf32>
    %swap3A_152 = vector.shape_cast %swap3A_151 : vector<1x50x256xf32> to vector<50x256xf32>
    %swap3A_153 = vector.shape_cast %slice3A_147 : vector<50x256xf32> to vector<1x50x256xf32>
    tpu.vector_store %arg3[%swap3A_148, %swap3A_149, %swap3A_150], %swap3A_153 {strides = array<i32>} : memref<32x50x256xf32, #tpu.memory_space<vmem>>, vector<1x50x256xf32>,
    %slice3A_154 = vector.extract_strided_slice %get3A_1 {offsets = [1232, 0], sizes = [50, 256], strides = [1, 1]} : vector<1792x256xf32> to vector<50x256xf32>
    %swap3A_155 = arith.constant 22 : index
    %swap3A_156 = arith.constant 0 : index
    %swap3A_157 = arith.constant 0 : index
    %swap3A_158 = vector.load %arg3[%swap3A_155, %swap3A_156, %swap3A_157] : memref<32x50x256xf32, #tpu.memory_space<vmem>>, vector<1x50x256xf32>
    %swap3A_159 = vector.shape_cast %swap3A_158 : vector<1x50x256xf32> to vector<50x256xf32>
    %swap3A_160 = vector.shape_cast %slice3A_154 : vector<50x256xf32> to vector<1x50x256xf32>
    tpu.vector_store %arg3[%swap3A_155, %swap3A_156, %swap3A_157], %swap3A_160 {strides = array<i32>} : memref<32x50x256xf32, #tpu.memory_space<vmem>>, vector<1x50x256xf32>,
    %slice3A_161 = vector.extract_strided_slice %get3A_1 {offsets = [1288, 0], sizes = [50, 256], strides = [1, 1]} : vector<1792x256xf32> to vector<50x256xf32>
    %swap3A_162 = arith.constant 23 : index
    %swap3A_163 = arith.constant 0 : index
    %swap3A_164 = arith.constant 0 : index
    %swap3A_165 = vector.load %arg3[%swap3A_162, %swap3A_163, %swap3A_164] : memref<32x50x256xf32, #tpu.memory_space<vmem>>, vector<1x50x256xf32>
    %swap3A_166 = vector.shape_cast %swap3A_165 : vector<1x50x256xf32> to vector<50x256xf32>
    %swap3A_167 = vector.shape_cast %slice3A_161 : vector<50x256xf32> to vector<1x50x256xf32>
    tpu.vector_store %arg3[%swap3A_162, %swap3A_163, %swap3A_164], %swap3A_167 {strides = array<i32>} : memref<32x50x256xf32, #tpu.memory_space<vmem>>, vector<1x50x256xf32>,
    %slice3A_168 = vector.extract_strided_slice %get3A_1 {offsets = [1344, 0], sizes = [50, 256], strides = [1, 1]} : vector<1792x256xf32> to vector<50x256xf32>
    %swap3A_169 = arith.constant 24 : index
    %swap3A_170 = arith.constant 0 : index
    %swap3A_171 = arith.constant 0 : index
    %swap3A_172 = vector.load %arg3[%swap3A_169, %swap3A_170, %swap3A_171] : memref<32x50x256xf32, #tpu.memory_space<vmem>>, vector<1x50x256xf32>
    %swap3A_173 = vector.shape_cast %swap3A_172 : vector<1x50x256xf32> to vector<50x256xf32>
    %swap3A_174 = vector.shape_cast %slice3A_168 : vector<50x256xf32> to vector<1x50x256xf32>
    tpu.vector_store %arg3[%swap3A_169, %swap3A_170, %swap3A_171], %swap3A_174 {strides = array<i32>} : memref<32x50x256xf32, #tpu.memory_space<vmem>>, vector<1x50x256xf32>,
    %slice3A_175 = vector.extract_strided_slice %get3A_1 {offsets = [1400, 0], sizes = [50, 256], strides = [1, 1]} : vector<1792x256xf32> to vector<50x256xf32>
    %swap3A_176 = arith.constant 25 : index
    %swap3A_177 = arith.constant 0 : index
    %swap3A_178 = arith.constant 0 : index
    %swap3A_179 = vector.load %arg3[%swap3A_176, %swap3A_177, %swap3A_178] : memref<32x50x256xf32, #tpu.memory_space<vmem>>, vector<1x50x256xf32>
    %swap3A_180 = vector.shape_cast %swap3A_179 : vector<1x50x256xf32> to vector<50x256xf32>
    %swap3A_181 = vector.shape_cast %slice3A_175 : vector<50x256xf32> to vector<1x50x256xf32>
    tpu.vector_store %arg3[%swap3A_176, %swap3A_177, %swap3A_178], %swap3A_181 {strides = array<i32>} : memref<32x50x256xf32, #tpu.memory_space<vmem>>, vector<1x50x256xf32>,
    %slice3A_182 = vector.extract_strided_slice %get3A_1 {offsets = [1456, 0], sizes = [50, 256], strides = [1, 1]} : vector<1792x256xf32> to vector<50x256xf32>
    %swap3A_183 = arith.constant 26 : index
    %swap3A_184 = arith.constant 0 : index
    %swap3A_185 = arith.constant 0 : index
    %swap3A_186 = vector.load %arg3[%swap3A_183, %swap3A_184, %swap3A_185] : memref<32x50x256xf32, #tpu.memory_space<vmem>>, vector<1x50x256xf32>
    %swap3A_187 = vector.shape_cast %swap3A_186 : vector<1x50x256xf32> to vector<50x256xf32>
    %swap3A_188 = vector.shape_cast %slice3A_182 : vector<50x256xf32> to vector<1x50x256xf32>
    tpu.vector_store %arg3[%swap3A_183, %swap3A_184, %swap3A_185], %swap3A_188 {strides = array<i32>} : memref<32x50x256xf32, #tpu.memory_space<vmem>>, vector<1x50x256xf32>,
    %slice3A_189 = vector.extract_strided_slice %get3A_1 {offsets = [1512, 0], sizes = [50, 256], strides = [1, 1]} : vector<1792x256xf32> to vector<50x256xf32>
    %swap3A_190 = arith.constant 27 : index
    %swap3A_191 = arith.constant 0 : index
    %swap3A_192 = arith.constant 0 : index
    %swap3A_193 = vector.load %arg3[%swap3A_190, %swap3A_191, %swap3A_192] : memref<32x50x256xf32, #tpu.memory_space<vmem>>, vector<1x50x256xf32>
    %swap3A_194 = vector.shape_cast %swap3A_193 : vector<1x50x256xf32> to vector<50x256xf32>
    %swap3A_195 = vector.shape_cast %slice3A_189 : vector<50x256xf32> to vector<1x50x256xf32>
    tpu.vector_store %arg3[%swap3A_190, %swap3A_191, %swap3A_192], %swap3A_195 {strides = array<i32>} : memref<32x50x256xf32, #tpu.memory_space<vmem>>, vector<1x50x256xf32>,
    %slice3A_196 = vector.extract_strided_slice %get3A_1 {offsets = [1568, 0], sizes = [50, 256], strides = [1, 1]} : vector<1792x256xf32> to vector<50x256xf32>
    %swap3A_197 = arith.constant 28 : index
    %swap3A_198 = arith.constant 0 : index
    %swap3A_199 = arith.constant 0 : index
    %swap3A_200 = vector.load %arg3[%swap3A_197, %swap3A_198, %swap3A_199] : memref<32x50x256xf32, #tpu.memory_space<vmem>>, vector<1x50x256xf32>
    %swap3A_201 = vector.shape_cast %swap3A_200 : vector<1x50x256xf32> to vector<50x256xf32>
    %swap3A_202 = vector.shape_cast %slice3A_196 : vector<50x256xf32> to vector<1x50x256xf32>
    tpu.vector_store %arg3[%swap3A_197, %swap3A_198, %swap3A_199], %swap3A_202 {strides = array<i32>} : memref<32x50x256xf32, #tpu.memory_space<vmem>>, vector<1x50x256xf32>,
    %slice3A_203 = vector.extract_strided_slice %get3A_1 {offsets = [1624, 0], sizes = [50, 256], strides = [1, 1]} : vector<1792x256xf32> to vector<50x256xf32>
    %swap3A_204 = arith.constant 29 : index
    %swap3A_205 = arith.constant 0 : index
    %swap3A_206 = arith.constant 0 : index
    %swap3A_207 = vector.load %arg3[%swap3A_204, %swap3A_205, %swap3A_206] : memref<32x50x256xf32, #tpu.memory_space<vmem>>, vector<1x50x256xf32>
    %swap3A_208 = vector.shape_cast %swap3A_207 : vector<1x50x256xf32> to vector<50x256xf32>
    %swap3A_209 = vector.shape_cast %slice3A_203 : vector<50x256xf32> to vector<1x50x256xf32>
    tpu.vector_store %arg3[%swap3A_204, %swap3A_205, %swap3A_206], %swap3A_209 {strides = array<i32>} : memref<32x50x256xf32, #tpu.memory_space<vmem>>, vector<1x50x256xf32>,
    %slice3A_210 = vector.extract_strided_slice %get3A_1 {offsets = [1680, 0], sizes = [50, 256], strides = [1, 1]} : vector<1792x256xf32> to vector<50x256xf32>
    %swap3A_211 = arith.constant 30 : index
    %swap3A_212 = arith.constant 0 : index
    %swap3A_213 = arith.constant 0 : index
    %swap3A_214 = vector.load %arg3[%swap3A_211, %swap3A_212, %swap3A_213] : memref<32x50x256xf32, #tpu.memory_space<vmem>>, vector<1x50x256xf32>
    %swap3A_215 = vector.shape_cast %swap3A_214 : vector<1x50x256xf32> to vector<50x256xf32>
    %swap3A_216 = vector.shape_cast %slice3A_210 : vector<50x256xf32> to vector<1x50x256xf32>
    tpu.vector_store %arg3[%swap3A_211, %swap3A_212, %swap3A_213], %swap3A_216 {strides = array<i32>} : memref<32x50x256xf32, #tpu.memory_space<vmem>>, vector<1x50x256xf32>,
    %slice3A_217 = vector.extract_strided_slice %get3A_1 {offsets = [1736, 0], sizes = [50, 256], strides = [1, 1]} : vector<1792x256xf32> to vector<50x256xf32>
    %swap3A_218 = arith.constant 31 : index
    %swap3A_219 = arith.constant 0 : index
    %swap3A_220 = arith.constant 0 : index
    %swap3A_221 = vector.load %arg3[%swap3A_218, %swap3A_219, %swap3A_220] : memref<32x50x256xf32, #tpu.memory_space<vmem>>, vector<1x50x256xf32>
    %swap3A_222 = vector.shape_cast %swap3A_221 : vector<1x50x256xf32> to vector<50x256xf32>
    %swap3A_223 = vector.shape_cast %slice3A_217 : vector<50x256xf32> to vector<1x50x256xf32>
    tpu.vector_store %arg3[%swap3A_218, %swap3A_219, %swap3A_220], %swap3A_223 {strides = array<i32>} : memref<32x50x256xf32, #tpu.memory_space<vmem>>, vector<1x50x256xf32>,
    return
  }
  func.func @transform_0(%arg0: i32) -> (i32, i32) {
    %c0_i32 = arith.constant 0 : i32
    %c0_i32_0 = arith.constant 0 : i32
    return %arg0, %c0_i32 : i32, i32
  }
  func.func @transform_2(%arg0: i32) -> (i32, i32, i32) {
    %c0_i32 = arith.constant 0 : i32
    %c0_i32_0 = arith.constant 0 : i32
    %c0_i32_1 = arith.constant 0 : i32
    return %arg0, %c0_i32, %c0_i32_0 : i32, i32, i32
  }
}

</mosaic_0001>

<sc_bundles>
// kernel: kernel.6.cloned.1.call-start
scs
__scs_entry_jumppad:
0x0: {  	(pc) =	sbr.rel $0x88, $3  }
0x1: {  	(tag) =	ssettag $0x0;
	lr =	simm.s32 $0x1  }
0x2: {  	[smem:$0x3F9D] =	sst lr;
	_ =	strace $0xD0000000  }
0x3: {  	_ = 	snop  }
0x4: {  	_ = 	snop  }
0x5: {  	_ = 	snop  }
0x6: {  	_ = 	snop  }
0x7: {  	_ = 	snop  }
__scs_overlays_trampoline_lowered:
0x8: {  	[smem:$0x3FAC] =	sst s0  }
0x9: {  	[smem:$0x3FAD] =	sst s1  }
0xa: {  	[smem:$0x3FAE] =	sst s2  }
0xb: {  	[smem:$0x3FAF] =	sst s3  }
0xc: {  	[smem:$0x3FB0] =	sst s4  }
0xd: {  	[smem:$0x3FB1] =	sst s5  }
0xe: {  	[smem:$0x3FB2] =	sst s6  }
0xf: {  	[smem:$0x3FB3] =	sst s7  }
0x10: {  	[smem:$0x3FB4] =	sst s8  }
0x11: {  	[smem:$0x3FB5] =	sst s9;
	s0 =	simm.s32 @!p0 $0x0  }
0x12: {  	s1 =	sld [smem:$0x3F9B];
	s0 =	simm.s32 @p0 $0x1  }
0x13: {  	[smem:$0x3FB6] =	sst s0;
	s0 =	simm.s32 @!p1 $0x0  }
0x14: {  	s2 =	sld [smem:$0x3F9A];
	s0 =	simm.s32 @p1 $0x1  }
0x15: {  	[smem:$0x3FB7] =	sst s0;
	s0 =	simm.s32 @!p2 $0x0  }
0x16: {  	s3 =	sld [smem:$0x3FDB];
	s0 =	simm.s32 @p2 $0x1  }
0x17: {  	s4 =	simm.s32 $0x1BF5;
	[smem:$0x3FB9] =	sst s0  }
0x18: {  	s0 =	sld [smem:$0x3F9C];
	_ =	swait.ge [sflag:s4], $0x0  }
0x19: {  	s7 =	sld [smem:$0x3F9D]  }
0x1a: {  	s8 =	sadd.s32 $0xFFFFE003, lr  }
0x1b: {  	s9 =	sadd.s32 $0xFFFFFEF7, lr;
	s5 =	simm.s32 $0xFFFFFFFF;
	p2 =	slt.u32 s8, $0xFFFFF086  }
0x1c: {  	p1 =	slt.u32 s9, $0xF7A;
	s5 =	simm.s32 @!p2 $0x0  }
0x1d: {  	s5 =	simm.s32 @p1 $0x1;
	p0 =	seq.s32 s7, s2  }
0x1e: {  	s7 =	smul.u32 @!p0 $0xF7A, s2;
	p2 =	seq.s32 @!p0 s5, $0x0  }
0x1f: {  	s9 =	smul.u32 $0xF7A, s1;
	s8 =	simm.s32 @!p0 $0x1BF5;
	p2 =	por !p2, p0  }
0x20: {  	[sflag:s8] =	ssyncset.s32 @!p0 $0xFFFFF086;
	s6 =	sadd.s32 @!p0 s3, s7;
	s7 =	simm.s32 @!p0 $0x108  }
0x21: {  	s3 =	sadd.s32 s3, s9;
	s6 =	sadd.s32 @!p0 $0x88, s6;
	s7 =	simm.s32 @p2 $0x1082  }
0x22: {  	[simem:s7], [sflag:s8] =	dma.local @!p0 [hbm:s6], $0xF7A  }
0x23: {  	s9 =	sor.u32 $0xD0000000, s2;
	s6 =	simm.s32 $0x108;
	_ =	swait.ge @!p0 [sflag:s8], $0x0  }
0x24: {  	s3 =	sadd.s32 $0x88, s3;
	s6 =	simm.s32 @!p1 $0x1082;
	[sflag:s4] =	ssyncset.s32 $0xFFFFF086  }
0x25: {  	[simem:s6], [sflag:s4] =	dma.local [hbm:s3], $0xF7A  }
0x26: {  	[smem:$0x3F9D] =	sst s1;
	(tag) =	ssettag s2;
	_ =	strace s9  }
0x27: {  	s1 =	sld [smem:$0x3FAD]  }
0x28: {  	s2 =	sld [smem:$0x3FAE]  }
0x29: {  	s4 =	sld [smem:$0x3FB0]  }
0x2a: {  	p0 =	seq.s32 s5, $0x0;
	s5 =	sld [smem:$0x3FB1]  }
0x2b: {  	s6 =	sld [smem:$0x3FB2]  }
0x2c: {  	s7 =	sld [smem:$0x3FB3]  }
0x2d: {  	s3 =	simm.s32 $0x108;
	s8 =	sld [smem:$0x3FB4]  }
0x2e: {  	s3 =	simm.s32 @!p0 $0x1082;
	s9 =	sld [smem:$0x3FB5]  }
0x2f: {  	lr =	sadd.s32 s0, s3;
	s0 =	sld [smem:$0x3FAC]  }
0x30: {  	s3 =	sld [smem:$0x3FAF]  }
0x31: {  	[smem:$0x3FB8] =	sst s10  }
0x32: {  	s10 =	sld [smem:$0x3FB6];
	_ =	sdelay $0x3  }
0x33: {  	p0 =	seq.s32 s10, $0x1;
	s10 =	sld [smem:$0x3FB8];
	_ =	sdelay $0x3  }
0x34: {  	[smem:$0x3FB8] =	sst s10  }
0x35: {  	s10 =	sld [smem:$0x3FB7];
	_ =	sdelay $0x3  }
0x36: {  	p1 =	seq.s32 s10, $0x1;
	s10 =	sld [smem:$0x3FB8];
	_ =	sdelay $0x3  }
0x37: {  	[smem:$0x3FB8] =	sst s10  }
0x38: {  	s10 =	sld [smem:$0x3FB9]  }
0x39: {  	_ = 	snop;
	(pc) =	sbr.ind lr, $3  }
0x3a: {  	_ = 	snop  }
0x3b: {  	_ = 	snop  }
0x3c: {  	p2 =	seq.s32 s10, $0x1;
	s10 =	sld [smem:$0x3FB8]  }
0x3d: {  	_ =	shalt  }
0x3e: {  	_ =	shalt  }
0x3f: {  	_ =	shalt  }
0x40: {  	_ =	shalt  }
0x41: {  	_ =	shalt  }
0x42: {  	_ =	shalt  }
0x43: {  	_ =	shalt  }
0x44: {  	_ =	shalt  }
0x45: {  	_ =	shalt  }
0x46: {  	_ =	shalt  }
0x47: {  	_ =	shalt  }
0x48: {  	_ =	shalt  }
0x49: {  	_ =	shalt  }
0x4a: {  	_ =	shalt  }
0x4b: {  	_ =	shalt  }
0x4c: {  	_ =	shalt  }
0x4d: {  	_ =	shalt  }
0x4e: {  	_ =	shalt  }
0x4f: {  	_ =	shalt  }
0x50: {  	_ =	shalt  }
0x51: {  	_ =	shalt  }
0x52: {  	_ =	shalt  }
0x53: {  	_ =	shalt  }
0x54: {  	_ =	shalt  }
0x55: {  	_ =	shalt  }
0x56: {  	_ =	shalt  }
0x57: {  	_ =	shalt  }
0x58: {  	_ =	shalt  }
0x59: {  	_ =	shalt  }
0x5a: {  	_ =	shalt  }
0x5b: {  	_ =	shalt  }
0x5c: {  	_ =	shalt  }
0x5d: {  	_ =	shalt  }
0x5e: {  	_ =	shalt  }
0x5f: {  	_ =	shalt  }
0x60: {  	_ =	shalt  }
0x61: {  	_ =	shalt  }
0x62: {  	_ =	shalt  }
0x63: {  	_ =	shalt  }
0x64: {  	_ =	shalt  }
0x65: {  	_ =	shalt  }
0x66: {  	_ =	shalt  }
0x67: {  	_ =	shalt  }
0x68: {  	_ =	shalt  }
0x69: {  	_ =	shalt  }
0x6a: {  	_ =	shalt  }
0x6b: {  	_ =	shalt  }
0x6c: {  	_ =	shalt  }
0x6d: {  	_ =	shalt  }
0x6e: {  	_ =	shalt  }
0x6f: {  	_ =	shalt  }
0x70: {  	_ =	shalt  }
0x71: {  	_ =	shalt  }
0x72: {  	_ =	shalt  }
0x73: {  	_ =	shalt  }
0x74: {  	_ =	shalt  }
0x75: {  	_ =	shalt  }
0x76: {  	_ =	shalt  }
0x77: {  	_ =	shalt  }
0x78: {  	_ =	shalt  }
0x79: {  	_ =	shalt  }
0x7a: {  	_ =	shalt  }
0x7b: {  	_ =	shalt  }
0x7c: {  	_ =	shalt  }
0x7d: {  	_ =	shalt  }
0x7e: {  	_ =	shalt  }
0x7f: {  	_ =	shalt  }
0x80: {  	_ =	shalt  }
0x81: {  	_ =	shalt  }
0x82: {  	_ =	shalt  }
0x83: {  	_ =	shalt  }
0x84: {  	_ =	shalt  }
0x85: {  	_ =	shalt  }
0x86: {  	_ =	shalt  }
0x87: {  	_ =	shalt  }
.Lfunc_end0:
.L_simem_size_0:
called_computation_lowered:
.L_overlay_start_0:
0x88: {  	s2 =	sld [smem:$0x3FD9]  }
0x89: {  	s3 =	sld [smem:$0x3FFE];
	_ =	sdelay $0x1  }
0x8a: {  	s1 =	srdreg.scid  }
0x8b: {  	s0 =	sand.u32 $0x1, s1  }
0x8c: {  	s17 =	sshll.u32 s0, $0xA;
	s2 =	sadd.s32 s3, s2  }
0x8d: {  	s2 =	sadd.s32 s2, s17  }
0x8e: {  	[smem:$0x3FC4] =	sst s2  }
0x8f: {  	_ = 	snop  }
0x90: {  	s2 =	sld [smem:$0x3FD0];
	(tm) =	ssettm $0x1  }
0x91: {  	s18 =	sld [smem:$0x3FFB];
	_ =	sdelay $0x3  }
0x92: {  	_ =	strace s18  }
0x93: {  	s3 =	sld [smem:$0x3FFC];
	_ =	sdelay $0x3  }
0x94: {  	_ =	strace s3  }
0x95: {  	s3 =	sld [smem:$0x3FFD];
	_ =	sdelay $0x3  }
0x96: {  	_ =	strace s3  }
0x97: {  	_ =	strace $0x8FFFFFFF  }
0x98: {  	s19 =	sld [smem:$0x3FDB];
	_ =	sdelay $0x1  }
0x99: {  	s4 =	simm.s32 $_scs_section_size  }
0x9a: {  	s5 =	simm.s32 $_size__tile_overlayer_lowered;
	s6 =	simm.s32 $_tile_overlayer_lowered  }
0x9b: {  	s22 =	simm.s32 $0x1BFF;
	s21 =	sshll.u32 s6, $0x1;
	s3 =	sadd.s32 s4, s19  }
0x9c: {  	s7 =	simm.s32 $0x0;
	s20 =	sshll.u32 s5, $0x1;
	s5 =	sadd.s32 s21, s3  }
0x9d: {  	[timem:s7], [sflag:s22] =	dma.local [hbm:s5], s20  }
0x9e: {  	_ =	swait.ge [sflag:s22], s20  }
0x9f: {  	s4 =	ssub.s32 $0x0, s20;
	[sflag:s22] =	ssyncset.done $0x0  }
0xa0: {  	[sflag:s22] =	ssyncadd.s32 s4;
	_ =	sdelay $0x1  }
0xa1: {  	s23 =	simm.s32 $0x1B8B  }
0xa2: {  	_ =	swait.ge [sflag:s23], $0x1  }
0xa3: {  	[sflag:s23] =	ssyncset.done $0x0  }
0xa4: {  	s25 =	simm.s32 $0x1B8E;
	s24 =	sld [smem:$0x3FFE];
	[sflag:s23] =	ssyncadd.s32 $0xFFFFFFFF  }
0xa5: {  	s26 =	simm.s32 $execute0_lowered;
	[smem:$0x3FD2] =	sst s25  }
0xa6: {  	s5 =	sshll.u32 s26, $0x1;
	_ =	strace $0x80000046;
	[dreg:$0x1] =	wrdreg $0xFFFFFFFF  }
0xa7: {  	s28 =	simm.s32 $_size_execute0_lowered;
	s3 =	sadd.s32 s3, s5;
	[dreg:$0x0] =	wrdreg $0x0  }
0xa8: {  	s5 =	sshll.u32 s28, $0x1;
	[dreg:$0x2] =	wrdreg s3  }
0xa9: {  	[dreg:$0x3] =	wrdreg s5  }
0xaa: {  	[dreg:$0x4] =	wrdreg $0xC0  }
0xab: {  	_ =	task [dreg:s7], $0x5FFFF  }
0xac: {  	[dreg:$0x1] =	wrdreg $0xFFFFFFFF  }
0xad: {  	[dreg:$0x0] =	wrdreg $0x60  }
0xae: {  	[dreg:$0x2] =	wrdreg s24  }
0xaf: {  	[dreg:$0x3] =	wrdreg s2  }
0xb0: {  	[dreg:$0x4] =	wrdreg $0x9  }
0xb1: {  	_ =	task.clear_ibuf [dreg:s7], $0x5FFFF;
	_ =	strace $0x90000046  }
0xb2: {  	s29 =	simm.s32 $0x9;
	_ =	strace $0x80000048  }
0xb3: {  	_ =	swait.ge [sflag:s29], $0x1  }
0xb4: {  	[sflag:s29] =	ssyncadd.s32 $0xFFFFFFFF  }
0xb5: {  	_ =	strace $0x90000048  }
0xb6: {  	_ =	sfence  }
0xb7: {  	s30 =	sld [smem:$0x0];
	_ =	sdelay $0x2  }
0xb8: {  	s31 =	sshll.u32 s1, $0xD;
	s1 =	sshrl.u32 s1, $0x2  }
0xb9: {  	s3 =	sand.u32 $0x4000, s31;
	s1 =	sadd.s32 s1, s30  }
0xba: {  	s0 =	sor.u32 s3, s0;
	s1 =	sshll.u32 s1, $0x11  }
0xbb: {  	s0 =	sor.u32 s1, s0  }
0xbc: {  	s0 =	sadd.s32 $0x8F2B, s0  }
0xbd: {  	[sflag:s0] =	ssyncadd.remote.s32 $0x1  }
0xbe: {  	_ =	sfence.sel $0xFFFF  }
0xbf: {  	[dreg:$0x0] =	wrdreg $0xFFFFFFFF;
	(pc) =	sbr.abs _section_cstart, $3  }
0xc0: {  	[dreg:$0x1] =	wrdreg $0xFFFFFFFF  }
0xc1: {  	_ =	task.clear_ibuf [dreg:s7], $0x2FFFF;
	_ =	strace $0x9FFFFFFF  }
0xc2: {  	(tm) =	ssettm $0x7FFFFFFF  }
0xc3: {  	_ =	shalt  }
tec
execute0_lowered:
.L_overlay_start_1:
0x0: {  	(tag) =	ssettag $0x1  }
0x1: {  	s1 =	rddreg [dreg:$0x0];
	s2 =	srdreg.scid  }
0x2: {  	s0 =	stileid.u32;
	s3 =	rddreg [dreg:$0x1];
	s20 =	simm.s32 $0x900  }
0x3: {  	s21 =	simm.s32 $0x1100;
	s23 =	simm.s32 $0x1900;
	s24 =	simm.s32 $0x2100  }
0x4: {  	s25 =	simm.s32 $0x2900;
	s26 =	simm.s32 $0x3100;
	s8 =	simm.s32 $0x4100  }
0x5: {  	s9 =	simm.s32 $0x4900;
	s10 =	simm.s32 $0x5100;
	s11 =	simm.s32 $0x5900  }
0x6: {  	s12 =	simm.s32 $0x6100;
	s13 =	simm.s32 $0x6900;
	s14 =	simm.s32 $0x7100  }
0x7: {  	s15 =	simm.s32 $0x7900;
	s16 =	simm.s32 $0x8100;
	s17 =	simm.s32 $0x8900  }
0x8: {  	s28 =	simm.s32 $0xD900;
	s4 =	sand.u32 $0x1, s2;
	s2 =	simm.s32 $0x0  }
0x9: {  	s29 =	simm.s32 $0x1;
	s30 =	simm.s32 $0x2;
	[smem:$0x7FF] =	sst s2  }
0xa: {  	s18 =	sshll.u32 s0, $0x1;
	_ =	strace $0x80000047;
	[dreg:$0x6] =	wrdreg s20  }
0xb: {  	s31 =	simm.s32 $0x3;
	s5 =	sor.u32 s4, s18;
	[dreg:$0x7] =	wrdreg s21  }
0xc: {  	s4 =	ssub.s32 $0x2, s4;
	s18 =	simm.s32 $0x9100;
	[dreg:$0x8] =	wrdreg s23  }
0xd: {  	s6 =	sshll.u32 s5, $0x5;
	s7 =	smul.u32 $0xE000, s5;
	[dreg:$0x9] =	wrdreg s24  }
0xe: {  	s5 =	smul.u32 $0x1C00, s5;
	s22 =	sshrl.u32 s4, $0x1;
	[dreg:$0xa] =	wrdreg s25  }
0xf: {  	[dreg:$0xb] =	wrdreg s26;
	s20 =	simm.s32 $0xA100;
	s21 =	simm.s32 $0xA900  }
0x10: {  	s23 =	simm.s32 $0xB900;
	s24 =	simm.s32 $0xC100;
	s25 =	simm.s32 $0xC900  }
0x11: {  	s26 =	simm.s32 $0xD100;
	s6 =	sadd.s32 s6, s1;
	s4 =	ssub.s32 s4, s22  }
0x12: {  	s22 =	simm.s32 $0xB100;
	s6 =	sadd.s32 $0xA00, s6;
	s7 =	sshrl.u32 s7, $0x3  }
0x13: {  	s5 =	sadd.s32 s3, s5;
	s4 =	smax.u32 s4, $0x1;
	[dreg:$0x3] =	wrdreg s6  }
0x14: {  	v2 =	vlaneseq.u32;
	s3 =	sadd.s32 s3, s7;
	[dreg:$0x4] =	wrdreg s5;
	s5 =	simm.s32 $0x5  }
0x15: {  	vm0 =	vmmov $0xffff;
	v1 =	vshrl.u32 v2, $0x3;
	s6 =	simm.s32 $0x100;
	s19 =	sadd.s32 $0xE00, s3;
	s3 =	sadd.s32 $0xE00, s1  }
0x16: {  	v0 =	vand.u32 $0x7, v2;
	v2 =	vor.u32 $0x8, v2;
	v1 =	vmul.u32 $0x8, v1;
	s1 =	simm.s32 $0x4;
	[dreg:$0x5] =	wrdreg s19;
	s19 =	simm.s32 $0x9900  }
.LBB2_1:
0x17: {  	s0 =	rddreg [dreg:$0x3]  }
0x18: {  	[tilespmem:s2], [sflag:$0x5] =	stream.linear.gather [hbm4b:s0+s2], $0x100, $0x38;
	[tilespmem:$0xE100] =	vst v63  }
0x19: {  	_ =	swait.ge [sflag:s5], $0x100  }
0x1a: {  	[sflag:s5] =	ssyncset.done $0x0  }
0x1b: {  	[sflag:s5] =	ssyncadd.s32 $0xFFFFFF00  }
0x1c: {  	v3 =	vld [tilespmem:$0x0];
	_ =	sdelay $0x4  }
0x1d: {  	v4 =	vshll.u32 v3, $0x1  }
0x1e: {  	v3 =	vand.u32 $0x7, v3;
	v4 =	vand.u32 $0xFFFFFFF0, v4  }
0x1f: {  	v3 =	vor.u32 v3, v4  }
0x20: {  	v4 =	vperm.xlane v3, v0;
	_ =	sdelay $0x1  }
0x21: {  	v3 =	vperm.xlane v3, v2;
	v4 =	vadd.s32 v1, v4;
	_ =	sdelay $0x1  }
0x22: {  	v3 =	vadd.s32 v1, v3;
	_ =	sdelay $0x2  }
0x23: {  	[tilespmem:s6], [sflag:$0x1] =	stream.indirect_vreg.gather [hbm4b:s3+s2], $0x80, v4, vm0, $0xb8;
	[tilespmem:$0xE100] =	vst v63  }
0x24: {  	s7 =	rddreg [dreg:$0x6]  }
0x25: {  	[tilespmem:s7], [sflag:$0x1] =	stream.indirect_vreg.gather [hbm4b:s3+s2], $0x80, v3, vm0, $0xb8;
	[tilespmem:$0xE100] =	vst v63  }
0x26: {  	v3 =	vld [tilespmem:$0x10];
	_ =	sdelay $0x4  }
0x27: {  	v51 =	vshll.u32 v3, $0x1  }
0x28: {  	v3 =	vand.u32 $0x7, v3;
	v4 =	vand.u32 $0xFFFFFFF0, v51  }
0x29: {  	v3 =	vor.u32 v3, v4  }
0x2a: {  	v4 =	vperm.xlane v3, v0;
	_ =	sdelay $0x1  }
0x2b: {  	v3 =	vperm.xlane v3, v2;
	v4 =	vadd.s32 v1, v4;
	_ =	sdelay $0x1  }
0x2c: {  	v3 =	vadd.s32 v1, v3;
	_ =	sdelay $0x1  }
0x2d: {  	s0 =	rddreg [dreg:$0x7]  }
0x2e: {  	[tilespmem:s0], [sflag:$0x1] =	stream.indirect_vreg.gather [hbm4b:s3+s2], $0x80, v4, vm0, $0xb8;
	[tilespmem:$0xE100] =	vst v63  }
0x2f: {  	s7 =	rddreg [dreg:$0x8]  }
0x30: {  	[tilespmem:s7], [sflag:$0x1] =	stream.indirect_vreg.gather [hbm4b:s3+s2], $0x80, v3, vm0, $0xb8;
	[tilespmem:$0xE100] =	vst v63  }
0x31: {  	v3 =	vld [tilespmem:$0x20];
	_ =	sdelay $0x4  }
0x32: {  	v52 =	vshll.u32 v3, $0x1  }
0x33: {  	v3 =	vand.u32 $0x7, v3;
	v4 =	vand.u32 $0xFFFFFFF0, v52  }
0x34: {  	v3 =	vor.u32 v3, v4  }
0x35: {  	v4 =	vperm.xlane v3, v0;
	_ =	sdelay $0x1  }
0x36: {  	v3 =	vperm.xlane v3, v2;
	v4 =	vadd.s32 v1, v4;
	_ =	sdelay $0x1  }
0x37: {  	v3 =	vadd.s32 v1, v3;
	_ =	sdelay $0x1  }
0x38: {  	s0 =	rddreg [dreg:$0x9]  }
0x39: {  	[tilespmem:s0], [sflag:$0x1] =	stream.indirect_vreg.gather [hbm4b:s3+s2], $0x80, v4, vm0, $0xb8;
	[tilespmem:$0xE100] =	vst v63  }
0x3a: {  	s7 =	rddreg [dreg:$0xa]  }
0x3b: {  	[tilespmem:s7], [sflag:$0x1] =	stream.indirect_vreg.gather [hbm4b:s3+s2], $0x80, v3, vm0, $0xb8;
	[tilespmem:$0xE100] =	vst v63  }
0x3c: {  	v3 =	vld [tilespmem:$0x30];
	_ =	sdelay $0x4  }
0x3d: {  	v53 =	vshll.u32 v3, $0x1  }
0x3e: {  	v3 =	vand.u32 $0x7, v3;
	v4 =	vand.u32 $0xFFFFFFF0, v53  }
0x3f: {  	v3 =	vor.u32 v3, v4  }
0x40: {  	v4 =	vperm.xlane v3, v0;
	_ =	sdelay $0x1  }
0x41: {  	v3 =	vperm.xlane v3, v2;
	v4 =	vadd.s32 v1, v4;
	_ =	sdelay $0x1  }
0x42: {  	v3 =	vadd.s32 v1, v3;
	_ =	sdelay $0x1  }
0x43: {  	s7 =	rddreg [dreg:$0xb]  }
0x44: {  	[tilespmem:s7], [sflag:$0x1] =	stream.indirect_vreg.gather [hbm4b:s3+s2], $0x80, v4, vm0, $0xb8;
	[tilespmem:$0xE100] =	vst v63  }
0x45: {  	s7 =	simm.s32 $0x3900  }
0x46: {  	[tilespmem:s7], [sflag:$0x1] =	stream.indirect_vreg.gather [hbm4b:s3+s2], $0x80, v3, vm0, $0xb8;
	[tilespmem:$0xE100] =	vst v63  }
0x47: {  	v3 =	vld [tilespmem:$0x40];
	_ =	sdelay $0x4  }
0x48: {  	v54 =	vshll.u32 v3, $0x1  }
0x49: {  	v3 =	vand.u32 $0x7, v3;
	v4 =	vand.u32 $0xFFFFFFF0, v54  }
0x4a: {  	v3 =	vor.u32 v3, v4  }
0x4b: {  	v4 =	vperm.xlane v3, v0;
	_ =	sdelay $0x1  }
0x4c: {  	v3 =	vperm.xlane v3, v2;
	v4 =	vadd.s32 v1, v4;
	_ =	sdelay $0x1  }
0x4d: {  	v3 =	vadd.s32 v1, v3;
	_ =	sdelay $0x2  }
0x4e: {  	[tilespmem:s8], [sflag:$0x1] =	stream.indirect_vreg.gather [hbm4b:s3+s2], $0x80, v4, vm0, $0xb8;
	[tilespmem:$0xE100] =	vst v63  }
0x4f: {  	_ = 	snop  }
0x50: {  	[tilespmem:s9], [sflag:$0x1] =	stream.indirect_vreg.gather [hbm4b:s3+s2], $0x80, v3, vm0, $0xb8;
	[tilespmem:$0xE100] =	vst v63  }
0x51: {  	v3 =	vld [tilespmem:$0x50];
	_ =	sdelay $0x4  }
0x52: {  	v55 =	vshll.u32 v3, $0x1  }
0x53: {  	v3 =	vand.u32 $0x7, v3;
	v4 =	vand.u32 $0xFFFFFFF0, v55  }
0x54: {  	v3 =	vor.u32 v3, v4  }
0x55: {  	v4 =	vperm.xlane v3, v0;
	_ =	sdelay $0x1  }
0x56: {  	v3 =	vperm.xlane v3, v2;
	v4 =	vadd.s32 v1, v4;
	_ =	sdelay $0x1  }
0x57: {  	v3 =	vadd.s32 v1, v3;
	_ =	sdelay $0x2  }
0x58: {  	[tilespmem:s10], [sflag:$0x1] =	stream.indirect_vreg.gather [hbm4b:s3+s2], $0x80, v4, vm0, $0xb8;
	[tilespmem:$0xE100] =	vst v63  }
0x59: {  	_ = 	snop  }
0x5a: {  	[tilespmem:s11], [sflag:$0x1] =	stream.indirect_vreg.gather [hbm4b:s3+s2], $0x80, v3, vm0, $0xb8;
	[tilespmem:$0xE100] =	vst v63  }
0x5b: {  	v3 =	vld [tilespmem:$0x60];
	_ =	sdelay $0x4  }
0x5c: {  	v56 =	vshll.u32 v3, $0x1  }
0x5d: {  	v3 =	vand.u32 $0x7, v3;
	v4 =	vand.u32 $0xFFFFFFF0, v56  }
0x5e: {  	v3 =	vor.u32 v3, v4  }
0x5f: {  	v4 =	vperm.xlane v3, v0;
	_ =	sdelay $0x1  }
0x60: {  	v3 =	vperm.xlane v3, v2;
	v4 =	vadd.s32 v1, v4;
	_ =	sdelay $0x1  }
0x61: {  	v3 =	vadd.s32 v1, v3;
	_ =	sdelay $0x2  }
0x62: {  	[tilespmem:s12], [sflag:$0x1] =	stream.indirect_vreg.gather [hbm4b:s3+s2], $0x80, v4, vm0, $0xb8;
	[tilespmem:$0xE100] =	vst v63  }
0x63: {  	_ = 	snop  }
0x64: {  	[tilespmem:s13], [sflag:$0x1] =	stream.indirect_vreg.gather [hbm4b:s3+s2], $0x80, v3, vm0, $0xb8;
	[tilespmem:$0xE100] =	vst v63  }
0x65: {  	v3 =	vld [tilespmem:$0x80];
	_ =	sdelay $0x4  }
0x66: {  	v57 =	vshll.u32 v3, $0x1  }
0x67: {  	v3 =	vand.u32 $0x7, v3;
	v4 =	vand.u32 $0xFFFFFFF0, v57  }
0x68: {  	v3 =	vor.u32 v3, v4  }
0x69: {  	v4 =	vperm.xlane v3, v0;
	_ =	sdelay $0x1  }
0x6a: {  	v3 =	vperm.xlane v3, v2;
	v4 =	vadd.s32 v1, v4;
	_ =	sdelay $0x1  }
0x6b: {  	v3 =	vadd.s32 v1, v3;
	_ =	sdelay $0x2  }
0x6c: {  	[tilespmem:s14], [sflag:$0x2] =	stream.indirect_vreg.gather [hbm4b:s3+s2], $0x80, v4, vm0, $0xb8;
	[tilespmem:$0xE100] =	vst v63  }
0x6d: {  	_ = 	snop  }
0x6e: {  	[tilespmem:s15], [sflag:$0x2] =	stream.indirect_vreg.gather [hbm4b:s3+s2], $0x80, v3, vm0, $0xb8;
	[tilespmem:$0xE100] =	vst v63  }
0x6f: {  	v3 =	vld [tilespmem:$0x90];
	_ =	sdelay $0x4  }
0x70: {  	v58 =	vshll.u32 v3, $0x1  }
0x71: {  	v3 =	vand.u32 $0x7, v3;
	v4 =	vand.u32 $0xFFFFFFF0, v58  }
0x72: {  	v3 =	vor.u32 v3, v4  }
0x73: {  	v4 =	vperm.xlane v3, v0;
	_ =	sdelay $0x1  }
0x74: {  	v3 =	vperm.xlane v3, v2;
	v4 =	vadd.s32 v1, v4;
	_ =	sdelay $0x1  }
0x75: {  	v3 =	vadd.s32 v1, v3;
	_ =	sdelay $0x2  }
0x76: {  	[tilespmem:s16], [sflag:$0x2] =	stream.indirect_vreg.gather [hbm4b:s3+s2], $0x80, v4, vm0, $0xb8;
	[tilespmem:$0xE100] =	vst v63  }
0x77: {  	_ = 	snop  }
0x78: {  	[tilespmem:s17], [sflag:$0x2] =	stream.indirect_vreg.gather [hbm4b:s3+s2], $0x80, v3, vm0, $0xb8;
	[tilespmem:$0xE100] =	vst v63  }
0x79: {  	v3 =	vld [tilespmem:$0xA0];
	_ =	sdelay $0x4  }
0x7a: {  	v59 =	vshll.u32 v3, $0x1  }
0x7b: {  	v3 =	vand.u32 $0x7, v3;
	v4 =	vand.u32 $0xFFFFFFF0, v59  }
0x7c: {  	v3 =	vor.u32 v3, v4  }
0x7d: {  	v4 =	vperm.xlane v3, v0;
	_ =	sdelay $0x1  }
0x7e: {  	v3 =	vperm.xlane v3, v2;
	v4 =	vadd.s32 v1, v4;
	_ =	sdelay $0x1  }
0x7f: {  	v3 =	vadd.s32 v1, v3;
	_ =	sdelay $0x2  }
0x80: {  	[tilespmem:s18], [sflag:$0x2] =	stream.indirect_vreg.gather [hbm4b:s3+s2], $0x80, v4, vm0, $0xb8;
	[tilespmem:$0xE100] =	vst v63  }
0x81: {  	_ = 	snop  }
0x82: {  	[tilespmem:s19], [sflag:$0x2] =	stream.indirect_vreg.gather [hbm4b:s3+s2], $0x80, v3, vm0, $0xb8;
	[tilespmem:$0xE100] =	vst v63  }
0x83: {  	v3 =	vld [tilespmem:$0xB0];
	_ =	sdelay $0x4  }
0x84: {  	v60 =	vshll.u32 v3, $0x1  }
0x85: {  	v3 =	vand.u32 $0x7, v3;
	v4 =	vand.u32 $0xFFFFFFF0, v60  }
0x86: {  	v3 =	vor.u32 v3, v4  }
0x87: {  	v4 =	vperm.xlane v3, v0;
	_ =	sdelay $0x1  }
0x88: {  	v3 =	vperm.xlane v3, v2;
	v4 =	vadd.s32 v1, v4;
	_ =	sdelay $0x1  }
0x89: {  	v3 =	vadd.s32 v1, v3;
	_ =	sdelay $0x2  }
0x8a: {  	[tilespmem:s20], [sflag:$0x2] =	stream.indirect_vreg.gather [hbm4b:s3+s2], $0x80, v4, vm0, $0xb8;
	[tilespmem:$0xE100] =	vst v63  }
0x8b: {  	_ = 	snop  }
0x8c: {  	[tilespmem:s21], [sflag:$0x2] =	stream.indirect_vreg.gather [hbm4b:s3+s2], $0x80, v3, vm0, $0xb8;
	[tilespmem:$0xE100] =	vst v63  }
0x8d: {  	v3 =	vld [tilespmem:$0xC0];
	_ =	sdelay $0x4  }
0x8e: {  	v61 =	vshll.u32 v3, $0x1  }
0x8f: {  	v3 =	vand.u32 $0x7, v3;
	v4 =	vand.u32 $0xFFFFFFF0, v61  }
0x90: {  	v3 =	vor.u32 v3, v4  }
0x91: {  	v4 =	vperm.xlane v3, v0;
	_ =	sdelay $0x1  }
0x92: {  	v3 =	vperm.xlane v3, v2;
	v4 =	vadd.s32 v1, v4;
	_ =	sdelay $0x1  }
0x93: {  	v3 =	vadd.s32 v1, v3;
	_ =	sdelay $0x2  }
0x94: {  	[tilespmem:s22], [sflag:$0x2] =	stream.indirect_vreg.gather [hbm4b:s3+s2], $0x80, v4, vm0, $0xb8;
	[tilespmem:$0xE100] =	vst v63  }
0x95: {  	_ = 	snop  }
0x96: {  	[tilespmem:s23], [sflag:$0x2] =	stream.indirect_vreg.gather [hbm4b:s3+s2], $0x80, v3, vm0, $0xb8;
	[tilespmem:$0xE100] =	vst v63  }
0x97: {  	v3 =	vld [tilespmem:$0xD0];
	_ =	sdelay $0x4  }
0x98: {  	v62 =	vshll.u32 v3, $0x1  }
0x99: {  	v3 =	vand.u32 $0x7, v3;
	v4 =	vand.u32 $0xFFFFFFF0, v62  }
0x9a: {  	v3 =	vor.u32 v3, v4  }
0x9b: {  	v4 =	vperm.xlane v3, v0;
	_ =	sdelay $0x1  }
0x9c: {  	v3 =	vperm.xlane v3, v2;
	v4 =	vadd.s32 v1, v4;
	_ =	sdelay $0x1  }
0x9d: {  	v3 =	vadd.s32 v1, v3;
	_ =	sdelay $0x2  }
0x9e: {  	[tilespmem:s24], [sflag:$0x2] =	stream.indirect_vreg.gather [hbm4b:s3+s2], $0x80, v4, vm0, $0xb8;
	[tilespmem:$0xE100] =	vst v63  }
0x9f: {  	_ = 	snop  }
0xa0: {  	[tilespmem:s25], [sflag:$0x2] =	stream.indirect_vreg.gather [hbm4b:s3+s2], $0x80, v3, vm0, $0xb8;
	[tilespmem:$0xE100] =	vst v63  }
0xa1: {  	v3 =	vld [tilespmem:$0xE0];
	_ =	sdelay $0x4  }
0xa2: {  	v63 =	vshll.u32 v3, $0x1  }
0xa3: {  	v3 =	vand.u32 $0x7, v3;
	v4 =	vand.u32 $0xFFFFFFF0, v63  }
0xa4: {  	v3 =	vor.u32 v3, v4  }
0xa5: {  	v4 =	vperm.xlane v3, v0;
	_ =	sdelay $0x1  }
0xa6: {  	v3 =	vperm.xlane v3, v2;
	v4 =	vadd.s32 v1, v4;
	_ =	sdelay $0x1  }
0xa7: {  	v3 =	vadd.s32 v1, v3;
	_ =	sdelay $0x2  }
0xa8: {  	[tilespmem:s26], [sflag:$0x2] =	stream.indirect_vreg.gather [hbm4b:s3+s2], $0x80, v4, vm0, $0xb8;
	[tilespmem:$0xE100] =	vst v63  }
0xa9: {  	_ = 	snop  }
0xaa: {  	[tilespmem:s28], [sflag:$0x2] =	stream.indirect_vreg.gather [hbm4b:s3+s2], $0x80, v3, vm0, $0xb8;
	[tilespmem:$0xE100] =	vst v63  }
0xab: {  	_ =	swait.ge [sflag:s29], $0x7000  }
0xac: {  	[sflag:s29] =	ssyncset.done $0x0  }
0xad: {  	s7 =	rddreg [dreg:$0x4];
	[sflag:s29] =	ssyncadd.s32 $0xFFFF9000  }
0xae: {  	[hbm4b:s7+s2] =	stream.linear.scatter [tilespmem:s6], [sflag:$0x3], $0x7000, $0x38;
	[tilespmem:$0xE100] =	vst v63  }
0xaf: {  	_ =	swait.ge [sflag:s30], $0x7000  }
0xb0: {  	[sflag:s30] =	ssyncset.done $0x0  }
0xb1: {  	s7 =	rddreg [dreg:$0x5];
	[sflag:s30] =	ssyncadd.s32 $0xFFFF9000  }
0xb2: {  	[hbm4b:s7+s2] =	stream.linear.scatter [tilespmem:s14], [sflag:$0x4], $0x7000, $0x38;
	[tilespmem:$0xE100] =	vst v63  }
0xb3: {  	p0 =	sne.s32 s4, $0x1;
	_ =	swait.ge [sflag:s31], $0x7000  }
.Ltmp0:
0xb4: {  	[sflag:s31] =	ssyncset.done $0x0;
	(pc) =	sbr.rel @p0 .LBB2_1-.Ltmp0, $4  }
0xb5: {  	[sflag:s31] =	ssyncadd.s32 $0xFFFF9000  }
0xb6: {  	_ =	swait.ge [sflag:s1], $0x7000  }
0xb7: {  	[sflag:s1] =	ssyncset.done $0x0  }
0xb8: {  	s4 =	sadd.s32 $0xFFFFFFFF, s4;
	[sflag:s1] =	ssyncadd.s32 $0xFFFF9000  }
0xb9: {  	_ =	sfence.sel $0x180000  }
0xba: {  	[bflag:$0x0] =	sbarrier.arrive $0xFFFF  }
0xbb: {  	_ =	strace $0x90000047  }
0xbc: {  	s0 =	stileid.u32;
	[bflag:$0x2] =	sbarrier.arrive $0xFFFF  }
0xbd: {  	p0 =	sne.s32 s0, $0x0;
	s0 =	rddreg [dreg:$0x2]  }
0xbe: {  	s0 =	sadd.s32 @!p0 $0x100000, s0  }
0xbf: {  	[sflag:s0] =	ssyncadd.tile.s32 @!p0 $0x1;
	_ =	shalt  }
.Lfunc_end2:
_tile_overlayer_lowered:
.L_overlay_start_2:
0xc0: {  	(tag) =	ssettag $0x2  }
0xc1: {  	s0 =	rddreg [dreg:$0x0];
	s2 =	stileid.u32  }
0xc2: {  	s1 =	rddreg [dreg:$0x1];
	p0 =	sne.s32 s2, $0x0  }
0xc3: {  	s3 =	rddreg [dreg:$0x2];
	[bflag:$0x3] =	sbarrier.arrive $0xFFFF;
	s2 =	simm.s32 @!p0 $0x1C05  }
0xc4: {  	[timem:s3], [sflag:s2] =	dma.local @!p0 [hbm:s0], s1  }
0xc5: {  	s0 =	simm.s32 @!p0 $0x5  }
0xc6: {  	_ =	swait.ge @!p0 [sflag:s0], s1  }
0xc7: {  	s1 =	ssub.s32 @!p0 $0x0, s1;
	[sflag:s0] =	ssyncset.done @!p0 $0x0  }
0xc8: {  	[sflag:s0] =	ssyncadd.s32 @!p0 s1  }
0xc9: {  	[bflag:$0x3] =	sbarrier.arrive $0xFFFF  }
0xca: {  	_ =	shalt  }

</sc_bundles>
